<compile_context>
chip_gen: v7x
topology: tpu7x:2x2x1
jax: 0.10.2.dev20260603
libtpu: 0.0.44.dev20260713+nightly
codegen_flags: <defaults>
</compile_context>

<pallas_src>
import functools

import jax
import jax.numpy as jnp
from jax import lax
from jax.experimental import pallas as pl
from jax.experimental.pallas import tpu as pltpu
from jax.experimental.pallas import tpu_sc as plsc

BATCH = 4
SEQ_LEN = 2048
N_EMBED = 128

_NUM_CORES = 2
_NUM_SUBCORES = 16
_NW = _NUM_CORES * _NUM_SUBCORES
_SPW = SEQ_LEN // _NW
_NH = 2
_HPW = _SPW // _NH
_LANES = 16
_VPR = N_EMBED // _LANES


def _emb_body(idx_hbm, tok_hbm, pos_hbm, out_hbm, idx_v, rows_v, pos_v,
              gsems, psem):
    wid = lax.axis_index("s") * _NUM_CORES + lax.axis_index("c")
    s_start = wid * _SPW

    idx_cps = [
        pltpu.async_copy(idx_hbm.at[b, pl.ds(s_start, _SPW)], idx_v.at[b],
                         psem)
        for b in range(BATCH)
    ]
    pos_cp = pltpu.async_copy(pos_hbm.at[pl.ds(s_start, _SPW)], pos_v, psem)
    for cp in idx_cps:
        cp.wait()

    gathers = [
        [
            pltpu.async_copy(
                tok_hbm.at[idx_v.at[b, pl.ds(h * _HPW, _HPW)]],
                rows_v.at[b, pl.ds(h * _HPW, _HPW), :],
                gsems.at[h * BATCH + b],
            )
            for b in range(BATCH)
        ]
        for h in range(_NH)
    ]
    pos_cp.wait()

    stores = []
    for h in range(_NH):
        for cp in gathers[h]:
            cp.wait()

        def add_row(r, _, h=h):
            row = h * _HPW + r
            for c in range(_VPR):
                sl = pl.ds(c * _LANES, _LANES)
                p = pos_v[row, sl]
                for b in range(BATCH):
                    rows_v[b, row, sl] = rows_v[b, row, sl] + p
            return 0

        lax.fori_loop(0, _HPW, add_row, 0)
        stores.extend(
            pltpu.async_copy(
                rows_v.at[b, pl.ds(h * _HPW, _HPW), :],
                out_hbm.at[b, pl.ds(s_start + h * _HPW, _HPW), :],
                psem,
            )
            for b in range(BATCH)
        )
    for cp in stores:
        cp.wait()


@jax.jit
def kernel(input_ids, token_table, pos_table):
    idx = input_ids.astype(jnp.int32)

    mesh = plsc.VectorSubcoreMesh(core_axis_name="c", subcore_axis_name="s")
    emb = functools.partial(
        pl.kernel,
        mesh=mesh,
        out_type=jax.ShapeDtypeStruct((BATCH, SEQ_LEN, N_EMBED), jnp.float32),
        scratch_types=[
            pltpu.VMEM((BATCH, _SPW), jnp.int32),
            pltpu.VMEM((BATCH, _SPW, N_EMBED), jnp.float32),
            pltpu.VMEM((_SPW, N_EMBED), jnp.float32),
            pltpu.SemaphoreType.DMA((_NH * BATCH,)),
            pltpu.SemaphoreType.DMA,
        ],
    )(_emb_body)

    return emb(idx, token_table, pos_table)

# --- scband reference (transcript-rebuilt; emitter-appended) ---
"""Pipeline reference for scband-transformer-embedding-29446295781398 (READ-ONLY COPY).

The authoritative reference and input builder live on the scoring server;
editing this copy changes nothing except your own understanding.
"""

import jax, jax.numpy as jnp
import numpy as np

VOCAB_SIZE = 100000
N_EMBED = 128
MAX_SEQ_LEN = 2048
BATCH = 4
SEQ_LEN = 2048

def setup_inputs(seed: int = 0) -> dict:
    key = jax.random.key(seed)
    k1, k2, k3 = jax.random.split(key, 3)
    input_ids = jax.random.randint(k1, (BATCH, SEQ_LEN), 0, VOCAB_SIZE, dtype=jnp.int64 if jax.config.jax_enable_x64 else jnp.int32)
    token_table = jax.random.normal(k2, (VOCAB_SIZE, N_EMBED), dtype=jnp.float32) * 0.02
    pos_table = jax.random.normal(k3, (MAX_SEQ_LEN, N_EMBED), dtype=jnp.float32) * 0.02
    return {"input_ids": input_ids, "token_table": token_table, "pos_table": pos_table}

def reference(input_ids, token_table, pos_table):
    batch_size, seq_len = input_ids.shape
    positions = jnp.arange(seq_len, dtype=input_ids.dtype)
    positions = jnp.broadcast_to(positions[None, :], (batch_size, seq_len))
    token_emb = jnp.take(token_table, input_ids, axis=0)
    position_emb = jnp.take(pos_table, positions, axis=0)
    x = token_emb + position_emb
    # dropout is identity in inference/eval mode
    return x

if __name__ == "__main__":
    import jax
    _d = setup_inputs()
    print(jax.jit(kernel)(*tuple(_d.values())))

</pallas_src>

<mosaic_0001>
#map = affine_map<(d0, d1) -> (0, 0)>
#map1 = affine_map<(d0, d1) -> (0, 0, 0)>
module attributes {stable_mosaic.version = 14 : i64} {
  func.func @_emb_body(%arg0: i32, %arg1: i32, %arg2: memref<4x2048xi32, #tpu.memory_space<hbm>>, %arg3: memref<100000x128xf32, #tpu.memory_space<hbm>>, %arg4: memref<2048x128xf32, #tpu.memory_space<hbm>>, %arg5: memref<4x2048x128xf32, #tpu.memory_space<hbm>>, %arg6: memref<4x64xi32, #tpu.memory_space<vmem>>, %arg7: memref<4x64x128xf32, #tpu.memory_space<vmem>>, %arg8: memref<64x128xf32, #tpu.memory_space<vmem>>, %arg9: memref<8x!tpu.dma_semaphore, #tpu.memory_space<semaphore_mem>>, %arg10: memref<!tpu.dma_semaphore, #tpu.memory_space<semaphore_mem>>) attributes {dimension_semantics = [#tpu.dimension_semantics<core_parallel>, #tpu.dimension_semantics<subcore_parallel>], iteration_bounds = array<i64: 2, 16>, scalar_prefetch = 0 : i64, scratch_operands = 5 : i64, tpu.core_type = #tpu.core_type<sc_vector_subcore>, window_params = [{transform_indices = #map}, {transform_indices = #map}, {transform_indices = #map}, {transform_indices = #map1}]} {
    %mul3A = arith.constant 2 : i32
    %mul3A_0 = arith.muli %arg1, %mul3A : i32
    %add3A = arith.addi %mul3A_0, %arg0 : i32
    %mul3A_1 = arith.constant 64 : i32
    %mul3A_2 = arith.muli %add3A, %mul3A_1 : i32
    %dma_start3A = arith.constant 0 : i32
    %dma_start3A_3 = arith.constant 0 : i32
    %dma_start3A_4 = arith.constant 0 : i32
    %dma_start3A_5 = tpu.memref_slice %arg6[%dma_start3A_3, %dma_start3A_4] : memref<4x64xi32, #tpu.memory_space<vmem>> -> memref<1x64xi32, #tpu.memory_space<vmem>>
    %dma_start3A_6 = tpu.memref_squeeze %dma_start3A_5 : memref<1x64xi32, #tpu.memory_space<vmem>> -> memref<64xi32, #tpu.memory_space<vmem>>
    %dma_start3A_7 = tpu.memref_slice %arg2[%dma_start3A, %mul3A_2] : memref<4x2048xi32, #tpu.memory_space<hbm>> -> memref<1x64xi32, #tpu.memory_space<hbm>>
    %dma_start3A_8 = tpu.memref_squeeze %dma_start3A_7 : memref<1x64xi32, #tpu.memory_space<hbm>> -> memref<64xi32, #tpu.memory_space<hbm>>
    %dma_start3A_9 = arith.constant 0 : i32
    %dma_start3A_10 = tpu.memref_slice %arg6[%dma_start3A_3, %dma_start3A_9] : memref<4x64xi32, #tpu.memory_space<vmem>> -> memref<1x64xi32, #tpu.memory_space<vmem>>
    %dma_start3A_11 = tpu.memref_squeeze %dma_start3A_10 : memref<1x64xi32, #tpu.memory_space<vmem>> -> memref<64xi32, #tpu.memory_space<vmem>>
    %dma_start3A_12 = tpu.memref_slice %arg2[%dma_start3A, %mul3A_2] : memref<4x2048xi32, #tpu.memory_space<hbm>> -> memref<1x64xi32, #tpu.memory_space<hbm>>
    %dma_start3A_13 = tpu.memref_squeeze %dma_start3A_12 : memref<1x64xi32, #tpu.memory_space<hbm>> -> memref<64xi32, #tpu.memory_space<hbm>>
    tpu.enqueue_dma source(%dma_start3A_13 : memref<64xi32, #tpu.memory_space<hbm>>) target(%dma_start3A_11 : memref<64xi32, #tpu.memory_space<vmem>>) target_semaphore(%arg10 : memref<!tpu.dma_semaphore, #tpu.memory_space<semaphore_mem>>)
    %dma_start3A_14 = arith.constant 1 : i32
    %dma_start3A_15 = arith.constant 1 : i32
    %dma_start3A_16 = arith.constant 0 : i32
    %dma_start3A_17 = tpu.memref_slice %arg6[%dma_start3A_15, %dma_start3A_16] : memref<4x64xi32, #tpu.memory_space<vmem>> -> memref<1x64xi32, #tpu.memory_space<vmem>>
    %dma_start3A_18 = tpu.memref_squeeze %dma_start3A_17 : memref<1x64xi32, #tpu.memory_space<vmem>> -> memref<64xi32, #tpu.memory_space<vmem>>
    %dma_start3A_19 = tpu.memref_slice %arg2[%dma_start3A_14, %mul3A_2] : memref<4x2048xi32, #tpu.memory_space<hbm>> -> memref<1x64xi32, #tpu.memory_space<hbm>>
    %dma_start3A_20 = tpu.memref_squeeze %dma_start3A_19 : memref<1x64xi32, #tpu.memory_space<hbm>> -> memref<64xi32, #tpu.memory_space<hbm>>
    %dma_start3A_21 = arith.constant 0 : i32
    %dma_start3A_22 = tpu.memref_slice %arg6[%dma_start3A_15, %dma_start3A_21] : memref<4x64xi32, #tpu.memory_space<vmem>> -> memref<1x64xi32, #tpu.memory_space<vmem>>
    %dma_start3A_23 = tpu.memref_squeeze %dma_start3A_22 : memref<1x64xi32, #tpu.memory_space<vmem>> -> memref<64xi32, #tpu.memory_space<vmem>>
    %dma_start3A_24 = tpu.memref_slice %arg2[%dma_start3A_14, %mul3A_2] : memref<4x2048xi32, #tpu.memory_space<hbm>> -> memref<1x64xi32, #tpu.memory_space<hbm>>
    %dma_start3A_25 = tpu.memref_squeeze %dma_start3A_24 : memref<1x64xi32, #tpu.memory_space<hbm>> -> memref<64xi32, #tpu.memory_space<hbm>>
    tpu.enqueue_dma source(%dma_start3A_25 : memref<64xi32, #tpu.memory_space<hbm>>) target(%dma_start3A_23 : memref<64xi32, #tpu.memory_space<vmem>>) target_semaphore(%arg10 : memref<!tpu.dma_semaphore, #tpu.memory_space<semaphore_mem>>)
    %dma_start3A_26 = arith.constant 2 : i32
    %dma_start3A_27 = arith.constant 2 : i32
    %dma_start3A_28 = arith.constant 0 : i32
    %dma_start3A_29 = tpu.memref_slice %arg6[%dma_start3A_27, %dma_start3A_28] : memref<4x64xi32, #tpu.memory_space<vmem>> -> memref<1x64xi32, #tpu.memory_space<vmem>>
    %dma_start3A_30 = tpu.memref_squeeze %dma_start3A_29 : memref<1x64xi32, #tpu.memory_space<vmem>> -> memref<64xi32, #tpu.memory_space<vmem>>
    %dma_start3A_31 = tpu.memref_slice %arg2[%dma_start3A_26, %mul3A_2] : memref<4x2048xi32, #tpu.memory_space<hbm>> -> memref<1x64xi32, #tpu.memory_space<hbm>>
    %dma_start3A_32 = tpu.memref_squeeze %dma_start3A_31 : memref<1x64xi32, #tpu.memory_space<hbm>> -> memref<64xi32, #tpu.memory_space<hbm>>
    %dma_start3A_33 = arith.constant 0 : i32
    %dma_start3A_34 = tpu.memref_slice %arg6[%dma_start3A_27, %dma_start3A_33] : memref<4x64xi32, #tpu.memory_space<vmem>> -> memref<1x64xi32, #tpu.memory_space<vmem>>
    %dma_start3A_35 = tpu.memref_squeeze %dma_start3A_34 : memref<1x64xi32, #tpu.memory_space<vmem>> -> memref<64xi32, #tpu.memory_space<vmem>>
    %dma_start3A_36 = tpu.memref_slice %arg2[%dma_start3A_26, %mul3A_2] : memref<4x2048xi32, #tpu.memory_space<hbm>> -> memref<1x64xi32, #tpu.memory_space<hbm>>
    %dma_start3A_37 = tpu.memref_squeeze %dma_start3A_36 : memref<1x64xi32, #tpu.memory_space<hbm>> -> memref<64xi32, #tpu.memory_space<hbm>>
    tpu.enqueue_dma source(%dma_start3A_37 : memref<64xi32, #tpu.memory_space<hbm>>) target(%dma_start3A_35 : memref<64xi32, #tpu.memory_space<vmem>>) target_semaphore(%arg10 : memref<!tpu.dma_semaphore, #tpu.memory_space<semaphore_mem>>)
    %dma_start3A_38 = arith.constant 3 : i32
    %dma_start3A_39 = arith.constant 3 : i32
    %dma_start3A_40 = arith.constant 0 : i32
    %dma_start3A_41 = tpu.memref_slice %arg6[%dma_start3A_39, %dma_start3A_40] : memref<4x64xi32, #tpu.memory_space<vmem>> -> memref<1x64xi32, #tpu.memory_space<vmem>>
    %dma_start3A_42 = tpu.memref_squeeze %dma_start3A_41 : memref<1x64xi32, #tpu.memory_space<vmem>> -> memref<64xi32, #tpu.memory_space<vmem>>
    %dma_start3A_43 = tpu.memref_slice %arg2[%dma_start3A_38, %mul3A_2] : memref<4x2048xi32, #tpu.memory_space<hbm>> -> memref<1x64xi32, #tpu.memory_space<hbm>>
    %dma_start3A_44 = tpu.memref_squeeze %dma_start3A_43 : memref<1x64xi32, #tpu.memory_space<hbm>> -> memref<64xi32, #tpu.memory_space<hbm>>
    %dma_start3A_45 = arith.constant 0 : i32
    %dma_start3A_46 = tpu.memref_slice %arg6[%dma_start3A_39, %dma_start3A_45] : memref<4x64xi32, #tpu.memory_space<vmem>> -> memref<1x64xi32, #tpu.memory_space<vmem>>
    %dma_start3A_47 = tpu.memref_squeeze %dma_start3A_46 : memref<1x64xi32, #tpu.memory_space<vmem>> -> memref<64xi32, #tpu.memory_space<vmem>>
    %dma_start3A_48 = tpu.memref_slice %arg2[%dma_start3A_38, %mul3A_2] : memref<4x2048xi32, #tpu.memory_space<hbm>> -> memref<1x64xi32, #tpu.memory_space<hbm>>
    %dma_start3A_49 = tpu.memref_squeeze %dma_start3A_48 : memref<1x64xi32, #tpu.memory_space<hbm>> -> memref<64xi32, #tpu.memory_space<hbm>>
    tpu.enqueue_dma source(%dma_start3A_49 : memref<64xi32, #tpu.memory_space<hbm>>) target(%dma_start3A_47 : memref<64xi32, #tpu.memory_space<vmem>>) target_semaphore(%arg10 : memref<!tpu.dma_semaphore, #tpu.memory_space<semaphore_mem>>)
    %dma_start3A_50 = arith.constant 0 : i32
    %dma_start3A_51 = tpu.memref_slice %arg4[%mul3A_2, %dma_start3A_50] : memref<2048x128xf32, #tpu.memory_space<hbm>> -> memref<64x128xf32, #tpu.memory_space<hbm>>
    %dma_start3A_52 = arith.constant 0 : i32
    %dma_start3A_53 = tpu.memref_slice %arg4[%mul3A_2, %dma_start3A_52] : memref<2048x128xf32, #tpu.memory_space<hbm>> -> memref<64x128xf32, #tpu.memory_space<hbm>>
    tpu.enqueue_dma source(%dma_start3A_53 : memref<64x128xf32, #tpu.memory_space<hbm>>) target(%arg8 : memref<64x128xf32, #tpu.memory_space<vmem>>) target_semaphore(%arg10 : memref<!tpu.dma_semaphore, #tpu.memory_space<semaphore_mem>>)
    %dma_wait3A = arith.constant 0 : i32
    %dma_wait3A_54 = arith.constant 0 : i32
    %dma_wait3A_55 = arith.constant 0 : i32
    %dma_wait3A_56 = tpu.memref_slice %arg6[%dma_wait3A_54, %dma_wait3A_55] : memref<4x64xi32, #tpu.memory_space<vmem>> -> memref<1x64xi32, #tpu.memory_space<vmem>>
    %dma_wait3A_57 = tpu.memref_squeeze %dma_wait3A_56 : memref<1x64xi32, #tpu.memory_space<vmem>> -> memref<64xi32, #tpu.memory_space<vmem>>
    %dma_wait3A_58 = tpu.memref_slice %arg2[%dma_wait3A, %mul3A_2] : memref<4x2048xi32, #tpu.memory_space<hbm>> -> memref<1x64xi32, #tpu.memory_space<hbm>>
    %dma_wait3A_59 = tpu.memref_squeeze %dma_wait3A_58 : memref<1x64xi32, #tpu.memory_space<hbm>> -> memref<64xi32, #tpu.memory_space<hbm>>
    %dma_wait3A_60 = arith.constant 0 : i32
    %dma_wait3A_61 = tpu.memref_slice %arg6[%dma_wait3A_54, %dma_wait3A_60] : memref<4x64xi32, #tpu.memory_space<vmem>> -> memref<1x64xi32, #tpu.memory_space<vmem>>
    %dma_wait3A_62 = tpu.memref_squeeze %dma_wait3A_61 : memref<1x64xi32, #tpu.memory_space<vmem>> -> memref<64xi32, #tpu.memory_space<vmem>>
    %dma_wait3A_63 = tpu.memref_slice %arg2[%dma_wait3A, %mul3A_2] : memref<4x2048xi32, #tpu.memory_space<hbm>> -> memref<1x64xi32, #tpu.memory_space<hbm>>
    %dma_wait3A_64 = tpu.memref_squeeze %dma_wait3A_63 : memref<1x64xi32, #tpu.memory_space<hbm>> -> memref<64xi32, #tpu.memory_space<hbm>>
    tpu.wait_dma2 semaphore(%arg10 : memref<!tpu.dma_semaphore, #tpu.memory_space<semaphore_mem>>) src(%dma_wait3A_64 : memref<64xi32, #tpu.memory_space<hbm>>) dst(%dma_wait3A_62 : memref<64xi32, #tpu.memory_space<vmem>>)
    %dma_wait3A_65 = arith.constant 1 : i32
    %dma_wait3A_66 = arith.constant 1 : i32
    %dma_wait3A_67 = arith.constant 0 : i32
    %dma_wait3A_68 = tpu.memref_slice %arg6[%dma_wait3A_66, %dma_wait3A_67] : memref<4x64xi32, #tpu.memory_space<vmem>> -> memref<1x64xi32, #tpu.memory_space<vmem>>
    %dma_wait3A_69 = tpu.memref_squeeze %dma_wait3A_68 : memref<1x64xi32, #tpu.memory_space<vmem>> -> memref<64xi32, #tpu.memory_space<vmem>>
    %dma_wait3A_70 = tpu.memref_slice %arg2[%dma_wait3A_65, %mul3A_2] : memref<4x2048xi32, #tpu.memory_space<hbm>> -> memref<1x64xi32, #tpu.memory_space<hbm>>
    %dma_wait3A_71 = tpu.memref_squeeze %dma_wait3A_70 : memref<1x64xi32, #tpu.memory_space<hbm>> -> memref<64xi32, #tpu.memory_space<hbm>>
    %dma_wait3A_72 = arith.constant 0 : i32
    %dma_wait3A_73 = tpu.memref_slice %arg6[%dma_wait3A_66, %dma_wait3A_72] : memref<4x64xi32, #tpu.memory_space<vmem>> -> memref<1x64xi32, #tpu.memory_space<vmem>>
    %dma_wait3A_74 = tpu.memref_squeeze %dma_wait3A_73 : memref<1x64xi32, #tpu.memory_space<vmem>> -> memref<64xi32, #tpu.memory_space<vmem>>
    %dma_wait3A_75 = tpu.memref_slice %arg2[%dma_wait3A_65, %mul3A_2] : memref<4x2048xi32, #tpu.memory_space<hbm>> -> memref<1x64xi32, #tpu.memory_space<hbm>>
    %dma_wait3A_76 = tpu.memref_squeeze %dma_wait3A_75 : memref<1x64xi32, #tpu.memory_space<hbm>> -> memref<64xi32, #tpu.memory_space<hbm>>
    tpu.wait_dma2 semaphore(%arg10 : memref<!tpu.dma_semaphore, #tpu.memory_space<semaphore_mem>>) src(%dma_wait3A_76 : memref<64xi32, #tpu.memory_space<hbm>>) dst(%dma_wait3A_74 : memref<64xi32, #tpu.memory_space<vmem>>)
    %dma_wait3A_77 = arith.constant 2 : i32
    %dma_wait3A_78 = arith.constant 2 : i32
    %dma_wait3A_79 = arith.constant 0 : i32
    %dma_wait3A_80 = tpu.memref_slice %arg6[%dma_wait3A_78, %dma_wait3A_79] : memref<4x64xi32, #tpu.memory_space<vmem>> -> memref<1x64xi32, #tpu.memory_space<vmem>>
    %dma_wait3A_81 = tpu.memref_squeeze %dma_wait3A_80 : memref<1x64xi32, #tpu.memory_space<vmem>> -> memref<64xi32, #tpu.memory_space<vmem>>
    %dma_wait3A_82 = tpu.memref_slice %arg2[%dma_wait3A_77, %mul3A_2] : memref<4x2048xi32, #tpu.memory_space<hbm>> -> memref<1x64xi32, #tpu.memory_space<hbm>>
    %dma_wait3A_83 = tpu.memref_squeeze %dma_wait3A_82 : memref<1x64xi32, #tpu.memory_space<hbm>> -> memref<64xi32, #tpu.memory_space<hbm>>
    %dma_wait3A_84 = arith.constant 0 : i32
    %dma_wait3A_85 = tpu.memref_slice %arg6[%dma_wait3A_78, %dma_wait3A_84] : memref<4x64xi32, #tpu.memory_space<vmem>> -> memref<1x64xi32, #tpu.memory_space<vmem>>
    %dma_wait3A_86 = tpu.memref_squeeze %dma_wait3A_85 : memref<1x64xi32, #tpu.memory_space<vmem>> -> memref<64xi32, #tpu.memory_space<vmem>>
    %dma_wait3A_87 = tpu.memref_slice %arg2[%dma_wait3A_77, %mul3A_2] : memref<4x2048xi32, #tpu.memory_space<hbm>> -> memref<1x64xi32, #tpu.memory_space<hbm>>
    %dma_wait3A_88 = tpu.memref_squeeze %dma_wait3A_87 : memref<1x64xi32, #tpu.memory_space<hbm>> -> memref<64xi32, #tpu.memory_space<hbm>>
    tpu.wait_dma2 semaphore(%arg10 : memref<!tpu.dma_semaphore, #tpu.memory_space<semaphore_mem>>) src(%dma_wait3A_88 : memref<64xi32, #tpu.memory_space<hbm>>) dst(%dma_wait3A_86 : memref<64xi32, #tpu.memory_space<vmem>>)
    %dma_wait3A_89 = arith.constant 3 : i32
    %dma_wait3A_90 = arith.constant 3 : i32
    %dma_wait3A_91 = arith.constant 0 : i32
    %dma_wait3A_92 = tpu.memref_slice %arg6[%dma_wait3A_90, %dma_wait3A_91] : memref<4x64xi32, #tpu.memory_space<vmem>> -> memref<1x64xi32, #tpu.memory_space<vmem>>
    %dma_wait3A_93 = tpu.memref_squeeze %dma_wait3A_92 : memref<1x64xi32, #tpu.memory_space<vmem>> -> memref<64xi32, #tpu.memory_space<vmem>>
    %dma_wait3A_94 = tpu.memref_slice %arg2[%dma_wait3A_89, %mul3A_2] : memref<4x2048xi32, #tpu.memory_space<hbm>> -> memref<1x64xi32, #tpu.memory_space<hbm>>
    %dma_wait3A_95 = tpu.memref_squeeze %dma_wait3A_94 : memref<1x64xi32, #tpu.memory_space<hbm>> -> memref<64xi32, #tpu.memory_space<hbm>>
    %dma_wait3A_96 = arith.constant 0 : i32
    %dma_wait3A_97 = tpu.memref_slice %arg6[%dma_wait3A_90, %dma_wait3A_96] : memref<4x64xi32, #tpu.memory_space<vmem>> -> memref<1x64xi32, #tpu.memory_space<vmem>>
    %dma_wait3A_98 = tpu.memref_squeeze %dma_wait3A_97 : memref<1x64xi32, #tpu.memory_space<vmem>> -> memref<64xi32, #tpu.memory_space<vmem>>
    %dma_wait3A_99 = tpu.memref_slice %arg2[%dma_wait3A_89, %mul3A_2] : memref<4x2048xi32, #tpu.memory_space<hbm>> -> memref<1x64xi32, #tpu.memory_space<hbm>>
    %dma_wait3A_100 = tpu.memref_squeeze %dma_wait3A_99 : memref<1x64xi32, #tpu.memory_space<hbm>> -> memref<64xi32, #tpu.memory_space<hbm>>
    tpu.wait_dma2 semaphore(%arg10 : memref<!tpu.dma_semaphore, #tpu.memory_space<semaphore_mem>>) src(%dma_wait3A_100 : memref<64xi32, #tpu.memory_space<hbm>>) dst(%dma_wait3A_98 : memref<64xi32, #tpu.memory_space<vmem>>)
    %dma_start3A_101 = arith.constant 0 : i32
    %dma_start3A_102 = arith.constant 0 : i32
    %dma_start3A_103 = arith.constant 0 : i32
    %dma_start3A_104 = arith.constant 0 : i32
    %dma_start3A_105 = arith.constant 0 : i32
    %dma_start3A_106 = tpu.memref_slice %arg7[%dma_start3A_102, %dma_start3A_104, %dma_start3A_105] : memref<4x64x128xf32, #tpu.memory_space<vmem>> -> memref<1x32x128xf32, #tpu.memory_space<vmem>>
    %dma_start3A_107 = tpu.memref_squeeze %dma_start3A_106 : memref<1x32x128xf32, #tpu.memory_space<vmem>> -> memref<32x128xf32, #tpu.memory_space<vmem>>
    %dma_start3A_108 = arith.constant 0 : i32
    %dma_start3A_109 = tpu.memref_slice %arg6[%dma_start3A_101, %dma_start3A_108] : memref<4x64xi32, #tpu.memory_space<vmem>> -> memref<1x32xi32, #tpu.memory_space<vmem>>
    %dma_start3A_110 = tpu.memref_squeeze %dma_start3A_109 : memref<1x32xi32, #tpu.memory_space<vmem>> -> memref<32xi32, #tpu.memory_space<vmem>>
    %dma_start3A_111 = arith.constant 0 : i32
    %dma_start3A_112 = arith.constant 0 : i32
    %dma_start3A_113 = tpu.memref_slice %arg3[%dma_start3A_111, %dma_start3A_112] : memref<100000x128xf32, #tpu.memory_space<hbm>> -> memref<100000x128xf32, #tpu.memory_space<hbm>>
    %dma_start3A_114 = tpu.memref_slice %arg9[%dma_start3A_103] : memref<8x!tpu.dma_semaphore, #tpu.memory_space<semaphore_mem>> -> memref<1x!tpu.dma_semaphore, #tpu.memory_space<semaphore_mem>>
    %dma_start3A_115 = tpu.memref_squeeze %dma_start3A_114 : memref<1x!tpu.dma_semaphore, #tpu.memory_space<semaphore_mem>> -> memref<!tpu.dma_semaphore, #tpu.memory_space<semaphore_mem>>
    tpu.enqueue_indirect_dma source(%dma_start3A_113 : memref<100000x128xf32, #tpu.memory_space<hbm>>) target(%dma_start3A_107 : memref<32x128xf32, #tpu.memory_space<vmem>>) offsets(%dma_start3A_110 : memref<32xi32, #tpu.memory_space<vmem>>) semaphore(%dma_start3A_115 : memref<!tpu.dma_semaphore, #tpu.memory_space<semaphore_mem>>)
    %dma_start3A_116 = arith.constant 1 : i32
    %dma_start3A_117 = arith.constant 1 : i32
    %dma_start3A_118 = arith.constant 1 : i32
    %dma_start3A_119 = arith.constant 0 : i32
    %dma_start3A_120 = arith.constant 0 : i32
    %dma_start3A_121 = tpu.memref_slice %arg7[%dma_start3A_117, %dma_start3A_119, %dma_start3A_120] : memref<4x64x128xf32, #tpu.memory_space<vmem>> -> memref<1x32x128xf32, #tpu.memory_space<vmem>>
    %dma_start3A_122 = tpu.memref_squeeze %dma_start3A_121 : memref<1x32x128xf32, #tpu.memory_space<vmem>> -> memref<32x128xf32, #tpu.memory_space<vmem>>
    %dma_start3A_123 = arith.constant 0 : i32
    %dma_start3A_124 = tpu.memref_slice %arg6[%dma_start3A_116, %dma_start3A_123] : memref<4x64xi32, #tpu.memory_space<vmem>> -> memref<1x32xi32, #tpu.memory_space<vmem>>
    %dma_start3A_125 = tpu.memref_squeeze %dma_start3A_124 : memref<1x32xi32, #tpu.memory_space<vmem>> -> memref<32xi32, #tpu.memory_space<vmem>>
    %dma_start3A_126 = arith.constant 0 : i32
    %dma_start3A_127 = arith.constant 0 : i32
    %dma_start3A_128 = tpu.memref_slice %arg3[%dma_start3A_126, %dma_start3A_127] : memref<100000x128xf32, #tpu.memory_space<hbm>> -> memref<100000x128xf32, #tpu.memory_space<hbm>>
    %dma_start3A_129 = tpu.memref_slice %arg9[%dma_start3A_118] : memref<8x!tpu.dma_semaphore, #tpu.memory_space<semaphore_mem>> -> memref<1x!tpu.dma_semaphore, #tpu.memory_space<semaphore_mem>>
    %dma_start3A_130 = tpu.memref_squeeze %dma_start3A_129 : memref<1x!tpu.dma_semaphore, #tpu.memory_space<semaphore_mem>> -> memref<!tpu.dma_semaphore, #tpu.memory_space<semaphore_mem>>
    tpu.enqueue_indirect_dma source(%dma_start3A_128 : memref<100000x128xf32, #tpu.memory_space<hbm>>) target(%dma_start3A_122 : memref<32x128xf32, #tpu.memory_space<vmem>>) offsets(%dma_start3A_125 : memref<32xi32, #tpu.memory_space<vmem>>) semaphore(%dma_start3A_130 : memref<!tpu.dma_semaphore, #tpu.memory_space<semaphore_mem>>)
    %dma_start3A_131 = arith.constant 2 : i32
    %dma_start3A_132 = arith.constant 2 : i32
    %dma_start3A_133 = arith.constant 2 : i32
    %dma_start3A_134 = arith.constant 0 : i32
    %dma_start3A_135 = arith.constant 0 : i32
    %dma_start3A_136 = tpu.memref_slice %arg7[%dma_start3A_132, %dma_start3A_134, %dma_start3A_135] : memref<4x64x128xf32, #tpu.memory_space<vmem>> -> memref<1x32x128xf32, #tpu.memory_space<vmem>>
    %dma_start3A_137 = tpu.memref_squeeze %dma_start3A_136 : memref<1x32x128xf32, #tpu.memory_space<vmem>> -> memref<32x128xf32, #tpu.memory_space<vmem>>
    %dma_start3A_138 = arith.constant 0 : i32
    %dma_start3A_139 = tpu.memref_slice %arg6[%dma_start3A_131, %dma_start3A_138] : memref<4x64xi32, #tpu.memory_space<vmem>> -> memref<1x32xi32, #tpu.memory_space<vmem>>
    %dma_start3A_140 = tpu.memref_squeeze %dma_start3A_139 : memref<1x32xi32, #tpu.memory_space<vmem>> -> memref<32xi32, #tpu.memory_space<vmem>>
    %dma_start3A_141 = arith.constant 0 : i32
    %dma_start3A_142 = arith.constant 0 : i32
    %dma_start3A_143 = tpu.memref_slice %arg3[%dma_start3A_141, %dma_start3A_142] : memref<100000x128xf32, #tpu.memory_space<hbm>> -> memref<100000x128xf32, #tpu.memory_space<hbm>>
    %dma_start3A_144 = tpu.memref_slice %arg9[%dma_start3A_133] : memref<8x!tpu.dma_semaphore, #tpu.memory_space<semaphore_mem>> -> memref<1x!tpu.dma_semaphore, #tpu.memory_space<semaphore_mem>>
    %dma_start3A_145 = tpu.memref_squeeze %dma_start3A_144 : memref<1x!tpu.dma_semaphore, #tpu.memory_space<semaphore_mem>> -> memref<!tpu.dma_semaphore, #tpu.memory_space<semaphore_mem>>
    tpu.enqueue_indirect_dma source(%dma_start3A_143 : memref<100000x128xf32, #tpu.memory_space<hbm>>) target(%dma_start3A_137 : memref<32x128xf32, #tpu.memory_space<vmem>>) offsets(%dma_start3A_140 : memref<32xi32, #tpu.memory_space<vmem>>) semaphore(%dma_start3A_145 : memref<!tpu.dma_semaphore, #tpu.memory_space<semaphore_mem>>)
    %dma_start3A_146 = arith.constant 3 : i32
    %dma_start3A_147 = arith.constant 3 : i32
    %dma_start3A_148 = arith.constant 3 : i32
    %dma_start3A_149 = arith.constant 0 : i32
    %dma_start3A_150 = arith.constant 0 : i32
    %dma_start3A_151 = tpu.memref_slice %arg7[%dma_start3A_147, %dma_start3A_149, %dma_start3A_150] : memref<4x64x128xf32, #tpu.memory_space<vmem>> -> memref<1x32x128xf32, #tpu.memory_space<vmem>>
    %dma_start3A_152 = tpu.memref_squeeze %dma_start3A_151 : memref<1x32x128xf32, #tpu.memory_space<vmem>> -> memref<32x128xf32, #tpu.memory_space<vmem>>
    %dma_start3A_153 = arith.constant 0 : i32
    %dma_start3A_154 = tpu.memref_slice %arg6[%dma_start3A_146, %dma_start3A_153] : memref<4x64xi32, #tpu.memory_space<vmem>> -> memref<1x32xi32, #tpu.memory_space<vmem>>
    %dma_start3A_155 = tpu.memref_squeeze %dma_start3A_154 : memref<1x32xi32, #tpu.memory_space<vmem>> -> memref<32xi32, #tpu.memory_space<vmem>>
    %dma_start3A_156 = arith.constant 0 : i32
    %dma_start3A_157 = arith.constant 0 : i32
    %dma_start3A_158 = tpu.memref_slice %arg3[%dma_start3A_156, %dma_start3A_157] : memref<100000x128xf32, #tpu.memory_space<hbm>> -> memref<100000x128xf32, #tpu.memory_space<hbm>>
    %dma_start3A_159 = tpu.memref_slice %arg9[%dma_start3A_148] : memref<8x!tpu.dma_semaphore, #tpu.memory_space<semaphore_mem>> -> memref<1x!tpu.dma_semaphore, #tpu.memory_space<semaphore_mem>>
    %dma_start3A_160 = tpu.memref_squeeze %dma_start3A_159 : memref<1x!tpu.dma_semaphore, #tpu.memory_space<semaphore_mem>> -> memref<!tpu.dma_semaphore, #tpu.memory_space<semaphore_mem>>
    tpu.enqueue_indirect_dma source(%dma_start3A_158 : memref<100000x128xf32, #tpu.memory_space<hbm>>) target(%dma_start3A_152 : memref<32x128xf32, #tpu.memory_space<vmem>>) offsets(%dma_start3A_155 : memref<32xi32, #tpu.memory_space<vmem>>) semaphore(%dma_start3A_160 : memref<!tpu.dma_semaphore, #tpu.memory_space<semaphore_mem>>)
    %dma_start3A_161 = arith.constant 0 : i32
    %dma_start3A_162 = arith.constant 0 : i32
    %dma_start3A_163 = arith.constant 4 : i32
    %dma_start3A_164 = arith.constant 32 : i32
    %dma_start3A_165 = arith.constant 0 : i32
    %dma_start3A_166 = tpu.memref_slice %arg7[%dma_start3A_162, %dma_start3A_164, %dma_start3A_165] : memref<4x64x128xf32, #tpu.memory_space<vmem>> -> memref<1x32x128xf32, #tpu.memory_space<vmem>>
    %dma_start3A_167 = tpu.memref_squeeze %dma_start3A_166 : memref<1x32x128xf32, #tpu.memory_space<vmem>> -> memref<32x128xf32, #tpu.memory_space<vmem>>
    %dma_start3A_168 = arith.constant 32 : i32
    %dma_start3A_169 = tpu.memref_slice %arg6[%dma_start3A_161, %dma_start3A_168] : memref<4x64xi32, #tpu.memory_space<vmem>> -> memref<1x32xi32, #tpu.memory_space<vmem>>
    %dma_start3A_170 = tpu.memref_squeeze %dma_start3A_169 : memref<1x32xi32, #tpu.memory_space<vmem>> -> memref<32xi32, #tpu.memory_space<vmem>>
    %dma_start3A_171 = arith.constant 0 : i32
    %dma_start3A_172 = arith.constant 0 : i32
    %dma_start3A_173 = tpu.memref_slice %arg3[%dma_start3A_171, %dma_start3A_172] : memref<100000x128xf32, #tpu.memory_space<hbm>> -> memref<100000x128xf32, #tpu.memory_space<hbm>>
    %dma_start3A_174 = tpu.memref_slice %arg9[%dma_start3A_163] : memref<8x!tpu.dma_semaphore, #tpu.memory_space<semaphore_mem>> -> memref<1x!tpu.dma_semaphore, #tpu.memory_space<semaphore_mem>>
    %dma_start3A_175 = tpu.memref_squeeze %dma_start3A_174 : memref<1x!tpu.dma_semaphore, #tpu.memory_space<semaphore_mem>> -> memref<!tpu.dma_semaphore, #tpu.memory_space<semaphore_mem>>
    tpu.enqueue_indirect_dma source(%dma_start3A_173 : memref<100000x128xf32, #tpu.memory_space<hbm>>) target(%dma_start3A_167 : memref<32x128xf32, #tpu.memory_space<vmem>>) offsets(%dma_start3A_170 : memref<32xi32, #tpu.memory_space<vmem>>) semaphore(%dma_start3A_175 : memref<!tpu.dma_semaphore, #tpu.memory_space<semaphore_mem>>)
    %dma_start3A_176 = arith.constant 1 : i32
    %dma_start3A_177 = arith.constant 1 : i32
    %dma_start3A_178 = arith.constant 5 : i32
    %dma_start3A_179 = arith.constant 32 : i32
    %dma_start3A_180 = arith.constant 0 : i32
    %dma_start3A_181 = tpu.memref_slice %arg7[%dma_start3A_177, %dma_start3A_179, %dma_start3A_180] : memref<4x64x128xf32, #tpu.memory_space<vmem>> -> memref<1x32x128xf32, #tpu.memory_space<vmem>>
    %dma_start3A_182 = tpu.memref_squeeze %dma_start3A_181 : memref<1x32x128xf32, #tpu.memory_space<vmem>> -> memref<32x128xf32, #tpu.memory_space<vmem>>
    %dma_start3A_183 = arith.constant 32 : i32
    %dma_start3A_184 = tpu.memref_slice %arg6[%dma_start3A_176, %dma_start3A_183] : memref<4x64xi32, #tpu.memory_space<vmem>> -> memref<1x32xi32, #tpu.memory_space<vmem>>
    %dma_start3A_185 = tpu.memref_squeeze %dma_start3A_184 : memref<1x32xi32, #tpu.memory_space<vmem>> -> memref<32xi32, #tpu.memory_space<vmem>>
    %dma_start3A_186 = arith.constant 0 : i32
    %dma_start3A_187 = arith.constant 0 : i32
    %dma_start3A_188 = tpu.memref_slice %arg3[%dma_start3A_186, %dma_start3A_187] : memref<100000x128xf32, #tpu.memory_space<hbm>> -> memref<100000x128xf32, #tpu.memory_space<hbm>>
    %dma_start3A_189 = tpu.memref_slice %arg9[%dma_start3A_178] : memref<8x!tpu.dma_semaphore, #tpu.memory_space<semaphore_mem>> -> memref<1x!tpu.dma_semaphore, #tpu.memory_space<semaphore_mem>>
    %dma_start3A_190 = tpu.memref_squeeze %dma_start3A_189 : memref<1x!tpu.dma_semaphore, #tpu.memory_space<semaphore_mem>> -> memref<!tpu.dma_semaphore, #tpu.memory_space<semaphore_mem>>
    tpu.enqueue_indirect_dma source(%dma_start3A_188 : memref<100000x128xf32, #tpu.memory_space<hbm>>) target(%dma_start3A_182 : memref<32x128xf32, #tpu.memory_space<vmem>>) offsets(%dma_start3A_185 : memref<32xi32, #tpu.memory_space<vmem>>) semaphore(%dma_start3A_190 : memref<!tpu.dma_semaphore, #tpu.memory_space<semaphore_mem>>)
    %dma_start3A_191 = arith.constant 2 : i32
    %dma_start3A_192 = arith.constant 2 : i32
    %dma_start3A_193 = arith.constant 6 : i32
    %dma_start3A_194 = arith.constant 32 : i32
    %dma_start3A_195 = arith.constant 0 : i32
    %dma_start3A_196 = tpu.memref_slice %arg7[%dma_start3A_192, %dma_start3A_194, %dma_start3A_195] : memref<4x64x128xf32, #tpu.memory_space<vmem>> -> memref<1x32x128xf32, #tpu.memory_space<vmem>>
    %dma_start3A_197 = tpu.memref_squeeze %dma_start3A_196 : memref<1x32x128xf32, #tpu.memory_space<vmem>> -> memref<32x128xf32, #tpu.memory_space<vmem>>
    %dma_start3A_198 = arith.constant 32 : i32
    %dma_start3A_199 = tpu.memref_slice %arg6[%dma_start3A_191, %dma_start3A_198] : memref<4x64xi32, #tpu.memory_space<vmem>> -> memref<1x32xi32, #tpu.memory_space<vmem>>
    %dma_start3A_200 = tpu.memref_squeeze %dma_start3A_199 : memref<1x32xi32, #tpu.memory_space<vmem>> -> memref<32xi32, #tpu.memory_space<vmem>>
    %dma_start3A_201 = arith.constant 0 : i32
    %dma_start3A_202 = arith.constant 0 : i32
    %dma_start3A_203 = tpu.memref_slice %arg3[%dma_start3A_201, %dma_start3A_202] : memref<100000x128xf32, #tpu.memory_space<hbm>> -> memref<100000x128xf32, #tpu.memory_space<hbm>>
    %dma_start3A_204 = tpu.memref_slice %arg9[%dma_start3A_193] : memref<8x!tpu.dma_semaphore, #tpu.memory_space<semaphore_mem>> -> memref<1x!tpu.dma_semaphore, #tpu.memory_space<semaphore_mem>>
    %dma_start3A_205 = tpu.memref_squeeze %dma_start3A_204 : memref<1x!tpu.dma_semaphore, #tpu.memory_space<semaphore_mem>> -> memref<!tpu.dma_semaphore, #tpu.memory_space<semaphore_mem>>
    tpu.enqueue_indirect_dma source(%dma_start3A_203 : memref<100000x128xf32, #tpu.memory_space<hbm>>) target(%dma_start3A_197 : memref<32x128xf32, #tpu.memory_space<vmem>>) offsets(%dma_start3A_200 : memref<32xi32, #tpu.memory_space<vmem>>) semaphore(%dma_start3A_205 : memref<!tpu.dma_semaphore, #tpu.memory_space<semaphore_mem>>)
    %dma_start3A_206 = arith.constant 3 : i32
    %dma_start3A_207 = arith.constant 3 : i32
    %dma_start3A_208 = arith.constant 7 : i32
    %dma_start3A_209 = arith.constant 32 : i32
    %dma_start3A_210 = arith.constant 0 : i32
    %dma_start3A_211 = tpu.memref_slice %arg7[%dma_start3A_207, %dma_start3A_209, %dma_start3A_210] : memref<4x64x128xf32, #tpu.memory_space<vmem>> -> memref<1x32x128xf32, #tpu.memory_space<vmem>>
    %dma_start3A_212 = tpu.memref_squeeze %dma_start3A_211 : memref<1x32x128xf32, #tpu.memory_space<vmem>> -> memref<32x128xf32, #tpu.memory_space<vmem>>
    %dma_start3A_213 = arith.constant 32 : i32
    %dma_start3A_214 = tpu.memref_slice %arg6[%dma_start3A_206, %dma_start3A_213] : memref<4x64xi32, #tpu.memory_space<vmem>> -> memref<1x32xi32, #tpu.memory_space<vmem>>
    %dma_start3A_215 = tpu.memref_squeeze %dma_start3A_214 : memref<1x32xi32, #tpu.memory_space<vmem>> -> memref<32xi32, #tpu.memory_space<vmem>>
    %dma_start3A_216 = arith.constant 0 : i32
    %dma_start3A_217 = arith.constant 0 : i32
    %dma_start3A_218 = tpu.memref_slice %arg3[%dma_start3A_216, %dma_start3A_217] : memref<100000x128xf32, #tpu.memory_space<hbm>> -> memref<100000x128xf32, #tpu.memory_space<hbm>>
    %dma_start3A_219 = tpu.memref_slice %arg9[%dma_start3A_208] : memref<8x!tpu.dma_semaphore, #tpu.memory_space<semaphore_mem>> -> memref<1x!tpu.dma_semaphore, #tpu.memory_space<semaphore_mem>>
    %dma_start3A_220 = tpu.memref_squeeze %dma_start3A_219 : memref<1x!tpu.dma_semaphore, #tpu.memory_space<semaphore_mem>> -> memref<!tpu.dma_semaphore, #tpu.memory_space<semaphore_mem>>
    tpu.enqueue_indirect_dma source(%dma_start3A_218 : memref<100000x128xf32, #tpu.memory_space<hbm>>) target(%dma_start3A_212 : memref<32x128xf32, #tpu.memory_space<vmem>>) offsets(%dma_start3A_215 : memref<32xi32, #tpu.memory_space<vmem>>) semaphore(%dma_start3A_220 : memref<!tpu.dma_semaphore, #tpu.memory_space<semaphore_mem>>)
    %dma_wait3A_221 = arith.constant 0 : i32
    %dma_wait3A_222 = tpu.memref_slice %arg4[%mul3A_2, %dma_wait3A_221] : memref<2048x128xf32, #tpu.memory_space<hbm>> -> memref<64x128xf32, #tpu.memory_space<hbm>>
    %dma_wait3A_223 = arith.constant 0 : i32
    %dma_wait3A_224 = tpu.memref_slice %arg4[%mul3A_2, %dma_wait3A_223] : memref<2048x128xf32, #tpu.memory_space<hbm>> -> memref<64x128xf32, #tpu.memory_space<hbm>>
    tpu.wait_dma2 semaphore(%arg10 : memref<!tpu.dma_semaphore, #tpu.memory_space<semaphore_mem>>) src(%dma_wait3A_224 : memref<64x128xf32, #tpu.memory_space<hbm>>) dst(%arg8 : memref<64x128xf32, #tpu.memory_space<vmem>>)
    %dma_wait3A_225 = arith.constant 0 : i32
    %dma_wait3A_226 = arith.constant 0 : i32
    %dma_wait3A_227 = arith.constant 0 : i32
    %dma_wait3A_228 = arith.constant 0 : i32
    %dma_wait3A_229 = arith.constant 0 : i32
    %dma_wait3A_230 = tpu.memref_slice %arg7[%dma_wait3A_226, %dma_wait3A_228, %dma_wait3A_229] : memref<4x64x128xf32, #tpu.memory_space<vmem>> -> memref<1x32x128xf32, #tpu.memory_space<vmem>>
    %dma_wait3A_231 = tpu.memref_squeeze %dma_wait3A_230 : memref<1x32x128xf32, #tpu.memory_space<vmem>> -> memref<32x128xf32, #tpu.memory_space<vmem>>
    %dma_wait3A_232 = arith.constant 0 : i32
    %dma_wait3A_233 = tpu.memref_slice %arg6[%dma_wait3A_225, %dma_wait3A_232] : memref<4x64xi32, #tpu.memory_space<vmem>> -> memref<1x32xi32, #tpu.memory_space<vmem>>
    %dma_wait3A_234 = tpu.memref_squeeze %dma_wait3A_233 : memref<1x32xi32, #tpu.memory_space<vmem>> -> memref<32xi32, #tpu.memory_space<vmem>>
    %dma_wait3A_235 = arith.constant 0 : i32
    %dma_wait3A_236 = arith.constant 0 : i32
    %dma_wait3A_237 = tpu.memref_slice %arg3[%dma_wait3A_235, %dma_wait3A_236] : memref<100000x128xf32, #tpu.memory_space<hbm>> -> memref<100000x128xf32, #tpu.memory_space<hbm>>
    %dma_wait3A_238 = tpu.memref_slice %arg9[%dma_wait3A_227] : memref<8x!tpu.dma_semaphore, #tpu.memory_space<semaphore_mem>> -> memref<1x!tpu.dma_semaphore, #tpu.memory_space<semaphore_mem>>
    %dma_wait3A_239 = tpu.memref_squeeze %dma_wait3A_238 : memref<1x!tpu.dma_semaphore, #tpu.memory_space<semaphore_mem>> -> memref<!tpu.dma_semaphore, #tpu.memory_space<semaphore_mem>>
    tpu.wait_indirect_dma semaphore(%dma_wait3A_239 : memref<!tpu.dma_semaphore, #tpu.memory_space<semaphore_mem>>) src(%dma_wait3A_237 : memref<100000x128xf32, #tpu.memory_space<hbm>>) dst(%dma_wait3A_231 : memref<32x128xf32, #tpu.memory_space<vmem>>)
    %dma_wait3A_240 = arith.constant 1 : i32
    %dma_wait3A_241 = arith.constant 1 : i32
    %dma_wait3A_242 = arith.constant 1 : i32
    %dma_wait3A_243 = arith.constant 0 : i32
    %dma_wait3A_244 = arith.constant 0 : i32
    %dma_wait3A_245 = tpu.memref_slice %arg7[%dma_wait3A_241, %dma_wait3A_243, %dma_wait3A_244] : memref<4x64x128xf32, #tpu.memory_space<vmem>> -> memref<1x32x128xf32, #tpu.memory_space<vmem>>
    %dma_wait3A_246 = tpu.memref_squeeze %dma_wait3A_245 : memref<1x32x128xf32, #tpu.memory_space<vmem>> -> memref<32x128xf32, #tpu.memory_space<vmem>>
    %dma_wait3A_247 = arith.constant 0 : i32
    %dma_wait3A_248 = tpu.memref_slice %arg6[%dma_wait3A_240, %dma_wait3A_247] : memref<4x64xi32, #tpu.memory_space<vmem>> -> memref<1x32xi32, #tpu.memory_space<vmem>>
    %dma_wait3A_249 = tpu.memref_squeeze %dma_wait3A_248 : memref<1x32xi32, #tpu.memory_space<vmem>> -> memref<32xi32, #tpu.memory_space<vmem>>
    %dma_wait3A_250 = arith.constant 0 : i32
    %dma_wait3A_251 = arith.constant 0 : i32
    %dma_wait3A_252 = tpu.memref_slice %arg3[%dma_wait3A_250, %dma_wait3A_251] : memref<100000x128xf32, #tpu.memory_space<hbm>> -> memref<100000x128xf32, #tpu.memory_space<hbm>>
    %dma_wait3A_253 = tpu.memref_slice %arg9[%dma_wait3A_242] : memref<8x!tpu.dma_semaphore, #tpu.memory_space<semaphore_mem>> -> memref<1x!tpu.dma_semaphore, #tpu.memory_space<semaphore_mem>>
    %dma_wait3A_254 = tpu.memref_squeeze %dma_wait3A_253 : memref<1x!tpu.dma_semaphore, #tpu.memory_space<semaphore_mem>> -> memref<!tpu.dma_semaphore, #tpu.memory_space<semaphore_mem>>
    tpu.wait_indirect_dma semaphore(%dma_wait3A_254 : memref<!tpu.dma_semaphore, #tpu.memory_space<semaphore_mem>>) src(%dma_wait3A_252 : memref<100000x128xf32, #tpu.memory_space<hbm>>) dst(%dma_wait3A_246 : memref<32x128xf32, #tpu.memory_space<vmem>>)
    %dma_wait3A_255 = arith.constant 2 : i32
    %dma_wait3A_256 = arith.constant 2 : i32
    %dma_wait3A_257 = arith.constant 2 : i32
    %dma_wait3A_258 = arith.constant 0 : i32
    %dma_wait3A_259 = arith.constant 0 : i32
    %dma_wait3A_260 = tpu.memref_slice %arg7[%dma_wait3A_256, %dma_wait3A_258, %dma_wait3A_259] : memref<4x64x128xf32, #tpu.memory_space<vmem>> -> memref<1x32x128xf32, #tpu.memory_space<vmem>>
    %dma_wait3A_261 = tpu.memref_squeeze %dma_wait3A_260 : memref<1x32x128xf32, #tpu.memory_space<vmem>> -> memref<32x128xf32, #tpu.memory_space<vmem>>
    %dma_wait3A_262 = arith.constant 0 : i32
    %dma_wait3A_263 = tpu.memref_slice %arg6[%dma_wait3A_255, %dma_wait3A_262] : memref<4x64xi32, #tpu.memory_space<vmem>> -> memref<1x32xi32, #tpu.memory_space<vmem>>
    %dma_wait3A_264 = tpu.memref_squeeze %dma_wait3A_263 : memref<1x32xi32, #tpu.memory_space<vmem>> -> memref<32xi32, #tpu.memory_space<vmem>>
    %dma_wait3A_265 = arith.constant 0 : i32
    %dma_wait3A_266 = arith.constant 0 : i32
    %dma_wait3A_267 = tpu.memref_slice %arg3[%dma_wait3A_265, %dma_wait3A_266] : memref<100000x128xf32, #tpu.memory_space<hbm>> -> memref<100000x128xf32, #tpu.memory_space<hbm>>
    %dma_wait3A_268 = tpu.memref_slice %arg9[%dma_wait3A_257] : memref<8x!tpu.dma_semaphore, #tpu.memory_space<semaphore_mem>> -> memref<1x!tpu.dma_semaphore, #tpu.memory_space<semaphore_mem>>
    %dma_wait3A_269 = tpu.memref_squeeze %dma_wait3A_268 : memref<1x!tpu.dma_semaphore, #tpu.memory_space<semaphore_mem>> -> memref<!tpu.dma_semaphore, #tpu.memory_space<semaphore_mem>>
    tpu.wait_indirect_dma semaphore(%dma_wait3A_269 : memref<!tpu.dma_semaphore, #tpu.memory_space<semaphore_mem>>) src(%dma_wait3A_267 : memref<100000x128xf32, #tpu.memory_space<hbm>>) dst(%dma_wait3A_261 : memref<32x128xf32, #tpu.memory_space<vmem>>)
    %dma_wait3A_270 = arith.constant 3 : i32
    %dma_wait3A_271 = arith.constant 3 : i32
    %dma_wait3A_272 = arith.constant 3 : i32
    %dma_wait3A_273 = arith.constant 0 : i32
    %dma_wait3A_274 = arith.constant 0 : i32
    %dma_wait3A_275 = tpu.memref_slice %arg7[%dma_wait3A_271, %dma_wait3A_273, %dma_wait3A_274] : memref<4x64x128xf32, #tpu.memory_space<vmem>> -> memref<1x32x128xf32, #tpu.memory_space<vmem>>
    %dma_wait3A_276 = tpu.memref_squeeze %dma_wait3A_275 : memref<1x32x128xf32, #tpu.memory_space<vmem>> -> memref<32x128xf32, #tpu.memory_space<vmem>>
    %dma_wait3A_277 = arith.constant 0 : i32
    %dma_wait3A_278 = tpu.memref_slice %arg6[%dma_wait3A_270, %dma_wait3A_277] : memref<4x64xi32, #tpu.memory_space<vmem>> -> memref<1x32xi32, #tpu.memory_space<vmem>>
    %dma_wait3A_279 = tpu.memref_squeeze %dma_wait3A_278 : memref<1x32xi32, #tpu.memory_space<vmem>> -> memref<32xi32, #tpu.memory_space<vmem>>
    %dma_wait3A_280 = arith.constant 0 : i32
    %dma_wait3A_281 = arith.constant 0 : i32
    %dma_wait3A_282 = tpu.memref_slice %arg3[%dma_wait3A_280, %dma_wait3A_281] : memref<100000x128xf32, #tpu.memory_space<hbm>> -> memref<100000x128xf32, #tpu.memory_space<hbm>>
    %dma_wait3A_283 = tpu.memref_slice %arg9[%dma_wait3A_272] : memref<8x!tpu.dma_semaphore, #tpu.memory_space<semaphore_mem>> -> memref<1x!tpu.dma_semaphore, #tpu.memory_space<semaphore_mem>>
    %dma_wait3A_284 = tpu.memref_squeeze %dma_wait3A_283 : memref<1x!tpu.dma_semaphore, #tpu.memory_space<semaphore_mem>> -> memref<!tpu.dma_semaphore, #tpu.memory_space<semaphore_mem>>
    tpu.wait_indirect_dma semaphore(%dma_wait3A_284 : memref<!tpu.dma_semaphore, #tpu.memory_space<semaphore_mem>>) src(%dma_wait3A_282 : memref<100000x128xf32, #tpu.memory_space<hbm>>) dst(%dma_wait3A_276 : memref<32x128xf32, #tpu.memory_space<vmem>>)
    %scan3A = arith.constant 0 : i32
    %scan3A_285 = arith.constant 0 : i32
    %scan3A_286 = arith.constant 32 : i32
    %scan3A_287 = arith.addi %scan3A_285, %scan3A_286 : i32
    %scan3A_288 = arith.constant 1 : i32
    %scan3A_289 = scf.for %scan3A_630 = %scan3A_285 to %scan3A_287 step %scan3A_288 iter_args(%scan3A_631 = %scan3A) -> (i32)  : i32 {
      %add3A_632 = arith.constant 0 : i32
      %add3A_633 = arith.addi %add3A_632, %scan3A_630 : i32
      %get3A = arith.index_cast %add3A_633 : i32 to index
      %get3A_634 = arith.constant 0 : index
      %get3A_635 = tpu.vector_load %arg8[%get3A, %get3A_634] {strides = array<i32>} : memref<64x128xf32, #tpu.memory_space<vmem>>, vector<1x16xf32>,
      %get3A_636 = vector.shape_cast %get3A_635 : vector<1x16xf32> to vector<16xf32>
      %get3A_637 = arith.constant 0 : i32
      %get3A_638 = arith.index_cast %get3A_637 : i32 to index
      %get3A_639 = arith.index_cast %add3A_633 : i32 to index
      %get3A_640 = arith.constant 0 : index
      %get3A_641 = tpu.vector_load %arg7[%get3A_638, %get3A_639, %get3A_640] {strides = array<i32>} : memref<4x64x128xf32, #tpu.memory_space<vmem>>, vector<1x1x16xf32>,
      %get3A_642 = vector.shape_cast %get3A_641 : vector<1x1x16xf32> to vector<16xf32>
      %add3A_643 = arith.addf %get3A_642, %get3A_636 : vector<16xf32>
      %swap3A = arith.constant 0 : i32
      %swap3A_644 = arith.index_cast %swap3A : i32 to index
      %swap3A_645 = arith.index_cast %add3A_633 : i32 to index
      %swap3A_646 = arith.constant 0 : index
      %swap3A_647 = tpu.vector_load %arg7[%swap3A_644, %swap3A_645, %swap3A_646] {strides = array<i32>} : memref<4x64x128xf32, #tpu.memory_space<vmem>>, vector<1x1x16xf32>,
      %swap3A_648 = vector.shape_cast %swap3A_647 : vector<1x1x16xf32> to vector<16xf32>
      %swap3A_649 = vector.shape_cast %add3A_643 : vector<16xf32> to vector<1x1x16xf32>
      tpu.vector_store %arg7[%swap3A_644, %swap3A_645, %swap3A_646], %swap3A_649 {strides = array<i32>} : memref<4x64x128xf32, #tpu.memory_space<vmem>>, vector<1x1x16xf32>,
      %get3A_650 = arith.constant 1 : i32
      %get3A_651 = arith.index_cast %get3A_650 : i32 to index
      %get3A_652 = arith.index_cast %add3A_633 : i32 to index
      %get3A_653 = arith.constant 0 : index
      %get3A_654 = tpu.vector_load %arg7[%get3A_651, %get3A_652, %get3A_653] {strides = array<i32>} : memref<4x64x128xf32, #tpu.memory_space<vmem>>, vector<1x1x16xf32>,
      %get3A_655 = vector.shape_cast %get3A_654 : vector<1x1x16xf32> to vector<16xf32>
      %add3A_656 = arith.addf %get3A_655, %get3A_636 : vector<16xf32>
      %swap3A_657 = arith.constant 1 : i32
      %swap3A_658 = arith.index_cast %swap3A_657 : i32 to index
      %swap3A_659 = arith.index_cast %add3A_633 : i32 to index
      %swap3A_660 = arith.constant 0 : index
      %swap3A_661 = tpu.vector_load %arg7[%swap3A_658, %swap3A_659, %swap3A_660] {strides = array<i32>} : memref<4x64x128xf32, #tpu.memory_space<vmem>>, vector<1x1x16xf32>,
      %swap3A_662 = vector.shape_cast %swap3A_661 : vector<1x1x16xf32> to vector<16xf32>
      %swap3A_663 = vector.shape_cast %add3A_656 : vector<16xf32> to vector<1x1x16xf32>
      tpu.vector_store %arg7[%swap3A_658, %swap3A_659, %swap3A_660], %swap3A_663 {strides = array<i32>} : memref<4x64x128xf32, #tpu.memory_space<vmem>>, vector<1x1x16xf32>,
      %get3A_664 = arith.constant 2 : i32
      %get3A_665 = arith.index_cast %get3A_664 : i32 to index
      %get3A_666 = arith.index_cast %add3A_633 : i32 to index
      %get3A_667 = arith.constant 0 : index
      %get3A_668 = tpu.vector_load %arg7[%get3A_665, %get3A_666, %get3A_667] {strides = array<i32>} : memref<4x64x128xf32, #tpu.memory_space<vmem>>, vector<1x1x16xf32>,
      %get3A_669 = vector.shape_cast %get3A_668 : vector<1x1x16xf32> to vector<16xf32>
      %add3A_670 = arith.addf %get3A_669, %get3A_636 : vector<16xf32>
      %swap3A_671 = arith.constant 2 : i32
      %swap3A_672 = arith.index_cast %swap3A_671 : i32 to index
      %swap3A_673 = arith.index_cast %add3A_633 : i32 to index
      %swap3A_674 = arith.constant 0 : index
      %swap3A_675 = tpu.vector_load %arg7[%swap3A_672, %swap3A_673, %swap3A_674] {strides = array<i32>} : memref<4x64x128xf32, #tpu.memory_space<vmem>>, vector<1x1x16xf32>,
      %swap3A_676 = vector.shape_cast %swap3A_675 : vector<1x1x16xf32> to vector<16xf32>
      %swap3A_677 = vector.shape_cast %add3A_670 : vector<16xf32> to vector<1x1x16xf32>
      tpu.vector_store %arg7[%swap3A_672, %swap3A_673, %swap3A_674], %swap3A_677 {strides = array<i32>} : memref<4x64x128xf32, #tpu.memory_space<vmem>>, vector<1x1x16xf32>,
      %get3A_678 = arith.constant 3 : i32
      %get3A_679 = arith.index_cast %get3A_678 : i32 to index
      %get3A_680 = arith.index_cast %add3A_633 : i32 to index
      %get3A_681 = arith.constant 0 : index
      %get3A_682 = tpu.vector_load %arg7[%get3A_679, %get3A_680, %get3A_681] {strides = array<i32>} : memref<4x64x128xf32, #tpu.memory_space<vmem>>, vector<1x1x16xf32>,
      %get3A_683 = vector.shape_cast %get3A_682 : vector<1x1x16xf32> to vector<16xf32>
      %add3A_684 = arith.addf %get3A_683, %get3A_636 : vector<16xf32>
      %swap3A_685 = arith.constant 3 : i32
      %swap3A_686 = arith.index_cast %swap3A_685 : i32 to index
      %swap3A_687 = arith.index_cast %add3A_633 : i32 to index
      %swap3A_688 = arith.constant 0 : index
      %swap3A_689 = tpu.vector_load %arg7[%swap3A_686, %swap3A_687, %swap3A_688] {strides = array<i32>} : memref<4x64x128xf32, #tpu.memory_space<vmem>>, vector<1x1x16xf32>,
      %swap3A_690 = vector.shape_cast %swap3A_689 : vector<1x1x16xf32> to vector<16xf32>
      %swap3A_691 = vector.shape_cast %add3A_684 : vector<16xf32> to vector<1x1x16xf32>
      tpu.vector_store %arg7[%swap3A_686, %swap3A_687, %swap3A_688], %swap3A_691 {strides = array<i32>} : memref<4x64x128xf32, #tpu.memory_space<vmem>>, vector<1x1x16xf32>,
      %get3A_692 = arith.index_cast %add3A_633 : i32 to index
      %get3A_693 = arith.constant 16 : index
      %get3A_694 = tpu.vector_load %arg8[%get3A_692, %get3A_693] {strides = array<i32>} : memref<64x128xf32, #tpu.memory_space<vmem>>, vector<1x16xf32>,
      %get3A_695 = vector.shape_cast %get3A_694 : vector<1x16xf32> to vector<16xf32>
      %get3A_696 = arith.constant 0 : i32
      %get3A_697 = arith.index_cast %get3A_696 : i32 to index
      %get3A_698 = arith.index_cast %add3A_633 : i32 to index
      %get3A_699 = arith.constant 16 : index
      %get3A_700 = tpu.vector_load %arg7[%get3A_697, %get3A_698, %get3A_699] {strides = array<i32>} : memref<4x64x128xf32, #tpu.memory_space<vmem>>, vector<1x1x16xf32>,
      %get3A_701 = vector.shape_cast %get3A_700 : vector<1x1x16xf32> to vector<16xf32>
      %add3A_702 = arith.addf %get3A_701, %get3A_695 : vector<16xf32>
      %swap3A_703 = arith.constant 0 : i32
      %swap3A_704 = arith.index_cast %swap3A_703 : i32 to index
      %swap3A_705 = arith.index_cast %add3A_633 : i32 to index
      %swap3A_706 = arith.constant 16 : index
      %swap3A_707 = tpu.vector_load %arg7[%swap3A_704, %swap3A_705, %swap3A_706] {strides = array<i32>} : memref<4x64x128xf32, #tpu.memory_space<vmem>>, vector<1x1x16xf32>,
      %swap3A_708 = vector.shape_cast %swap3A_707 : vector<1x1x16xf32> to vector<16xf32>
      %swap3A_709 = vector.shape_cast %add3A_702 : vector<16xf32> to vector<1x1x16xf32>
      tpu.vector_store %arg7[%swap3A_704, %swap3A_705, %swap3A_706], %swap3A_709 {strides = array<i32>} : memref<4x64x128xf32, #tpu.memory_space<vmem>>, vector<1x1x16xf32>,
      %get3A_710 = arith.constant 1 : i32
      %get3A_711 = arith.index_cast %get3A_710 : i32 to index
      %get3A_712 = arith.index_cast %add3A_633 : i32 to index
      %get3A_713 = arith.constant 16 : index
      %get3A_714 = tpu.vector_load %arg7[%get3A_711, %get3A_712, %get3A_713] {strides = array<i32>} : memref<4x64x128xf32, #tpu.memory_space<vmem>>, vector<1x1x16xf32>,
      %get3A_715 = vector.shape_cast %get3A_714 : vector<1x1x16xf32> to vector<16xf32>
      %add3A_716 = arith.addf %get3A_715, %get3A_695 : vector<16xf32>
      %swap3A_717 = arith.constant 1 : i32
      %swap3A_718 = arith.index_cast %swap3A_717 : i32 to index
      %swap3A_719 = arith.index_cast %add3A_633 : i32 to index
      %swap3A_720 = arith.constant 16 : index
      %swap3A_721 = tpu.vector_load %arg7[%swap3A_718, %swap3A_719, %swap3A_720] {strides = array<i32>} : memref<4x64x128xf32, #tpu.memory_space<vmem>>, vector<1x1x16xf32>,
      %swap3A_722 = vector.shape_cast %swap3A_721 : vector<1x1x16xf32> to vector<16xf32>
      %swap3A_723 = vector.shape_cast %add3A_716 : vector<16xf32> to vector<1x1x16xf32>
      tpu.vector_store %arg7[%swap3A_718, %swap3A_719, %swap3A_720], %swap3A_723 {strides = array<i32>} : memref<4x64x128xf32, #tpu.memory_space<vmem>>, vector<1x1x16xf32>,
      %get3A_724 = arith.constant 2 : i32
      %get3A_725 = arith.index_cast %get3A_724 : i32 to index
      %get3A_726 = arith.index_cast %add3A_633 : i32 to index
      %get3A_727 = arith.constant 16 : index
      %get3A_728 = tpu.vector_load %arg7[%get3A_725, %get3A_726, %get3A_727] {strides = array<i32>} : memref<4x64x128xf32, #tpu.memory_space<vmem>>, vector<1x1x16xf32>,
      %get3A_729 = vector.shape_cast %get3A_728 : vector<1x1x16xf32> to vector<16xf32>
      %add3A_730 = arith.addf %get3A_729, %get3A_695 : vector<16xf32>
      %swap3A_731 = arith.constant 2 : i32
      %swap3A_732 = arith.index_cast %swap3A_731 : i32 to index
      %swap3A_733 = arith.index_cast %add3A_633 : i32 to index
      %swap3A_734 = arith.constant 16 : index
      %swap3A_735 = tpu.vector_load %arg7[%swap3A_732, %swap3A_733, %swap3A_734] {strides = array<i32>} : memref<4x64x128xf32, #tpu.memory_space<vmem>>, vector<1x1x16xf32>,
      %swap3A_736 = vector.shape_cast %swap3A_735 : vector<1x1x16xf32> to vector<16xf32>
      %swap3A_737 = vector.shape_cast %add3A_730 : vector<16xf32> to vector<1x1x16xf32>
      tpu.vector_store %arg7[%swap3A_732, %swap3A_733, %swap3A_734], %swap3A_737 {strides = array<i32>} : memref<4x64x128xf32, #tpu.memory_space<vmem>>, vector<1x1x16xf32>,
      %get3A_738 = arith.constant 3 : i32
      %get3A_739 = arith.index_cast %get3A_738 : i32 to index
      %get3A_740 = arith.index_cast %add3A_633 : i32 to index
      %get3A_741 = arith.constant 16 : index
      %get3A_742 = tpu.vector_load %arg7[%get3A_739, %get3A_740, %get3A_741] {strides = array<i32>} : memref<4x64x128xf32, #tpu.memory_space<vmem>>, vector<1x1x16xf32>,
      %get3A_743 = vector.shape_cast %get3A_742 : vector<1x1x16xf32> to vector<16xf32>
      %add3A_744 = arith.addf %get3A_743, %get3A_695 : vector<16xf32>
      %swap3A_745 = arith.constant 3 : i32
      %swap3A_746 = arith.index_cast %swap3A_745 : i32 to index
      %swap3A_747 = arith.index_cast %add3A_633 : i32 to index
      %swap3A_748 = arith.constant 16 : index
      %swap3A_749 = tpu.vector_load %arg7[%swap3A_746, %swap3A_747, %swap3A_748] {strides = array<i32>} : memref<4x64x128xf32, #tpu.memory_space<vmem>>, vector<1x1x16xf32>,
      %swap3A_750 = vector.shape_cast %swap3A_749 : vector<1x1x16xf32> to vector<16xf32>
      %swap3A_751 = vector.shape_cast %add3A_744 : vector<16xf32> to vector<1x1x16xf32>
      tpu.vector_store %arg7[%swap3A_746, %swap3A_747, %swap3A_748], %swap3A_751 {strides = array<i32>} : memref<4x64x128xf32, #tpu.memory_space<vmem>>, vector<1x1x16xf32>,
      %get3A_752 = arith.index_cast %add3A_633 : i32 to index
      %get3A_753 = arith.constant 32 : index
      %get3A_754 = tpu.vector_load %arg8[%get3A_752, %get3A_753] {strides = array<i32>} : memref<64x128xf32, #tpu.memory_space<vmem>>, vector<1x16xf32>,
      %get3A_755 = vector.shape_cast %get3A_754 : vector<1x16xf32> to vector<16xf32>
      %get3A_756 = arith.constant 0 : i32
      %get3A_757 = arith.index_cast %get3A_756 : i32 to index
      %get3A_758 = arith.index_cast %add3A_633 : i32 to index
      %get3A_759 = arith.constant 32 : index
      %get3A_760 = tpu.vector_load %arg7[%get3A_757, %get3A_758, %get3A_759] {strides = array<i32>} : memref<4x64x128xf32, #tpu.memory_space<vmem>>, vector<1x1x16xf32>,
      %get3A_761 = vector.shape_cast %get3A_760 : vector<1x1x16xf32> to vector<16xf32>
      %add3A_762 = arith.addf %get3A_761, %get3A_755 : vector<16xf32>
      %swap3A_763 = arith.constant 0 : i32
      %swap3A_764 = arith.index_cast %swap3A_763 : i32 to index
      %swap3A_765 = arith.index_cast %add3A_633 : i32 to index
      %swap3A_766 = arith.constant 32 : index
      %swap3A_767 = tpu.vector_load %arg7[%swap3A_764, %swap3A_765, %swap3A_766] {strides = array<i32>} : memref<4x64x128xf32, #tpu.memory_space<vmem>>, vector<1x1x16xf32>,
      %swap3A_768 = vector.shape_cast %swap3A_767 : vector<1x1x16xf32> to vector<16xf32>
      %swap3A_769 = vector.shape_cast %add3A_762 : vector<16xf32> to vector<1x1x16xf32>
      tpu.vector_store %arg7[%swap3A_764, %swap3A_765, %swap3A_766], %swap3A_769 {strides = array<i32>} : memref<4x64x128xf32, #tpu.memory_space<vmem>>, vector<1x1x16xf32>,
      %get3A_770 = arith.constant 1 : i32
      %get3A_771 = arith.index_cast %get3A_770 : i32 to index
      %get3A_772 = arith.index_cast %add3A_633 : i32 to index
      %get3A_773 = arith.constant 32 : index
      %get3A_774 = tpu.vector_load %arg7[%get3A_771, %get3A_772, %get3A_773] {strides = array<i32>} : memref<4x64x128xf32, #tpu.memory_space<vmem>>, vector<1x1x16xf32>,
      %get3A_775 = vector.shape_cast %get3A_774 : vector<1x1x16xf32> to vector<16xf32>
      %add3A_776 = arith.addf %get3A_775, %get3A_755 : vector<16xf32>
      %swap3A_777 = arith.constant 1 : i32
      %swap3A_778 = arith.index_cast %swap3A_777 : i32 to index
      %swap3A_779 = arith.index_cast %add3A_633 : i32 to index
      %swap3A_780 = arith.constant 32 : index
      %swap3A_781 = tpu.vector_load %arg7[%swap3A_778, %swap3A_779, %swap3A_780] {strides = array<i32>} : memref<4x64x128xf32, #tpu.memory_space<vmem>>, vector<1x1x16xf32>,
      %swap3A_782 = vector.shape_cast %swap3A_781 : vector<1x1x16xf32> to vector<16xf32>
      %swap3A_783 = vector.shape_cast %add3A_776 : vector<16xf32> to vector<1x1x16xf32>
      tpu.vector_store %arg7[%swap3A_778, %swap3A_779, %swap3A_780], %swap3A_783 {strides = array<i32>} : memref<4x64x128xf32, #tpu.memory_space<vmem>>, vector<1x1x16xf32>,
      %get3A_784 = arith.constant 2 : i32
      %get3A_785 = arith.index_cast %get3A_784 : i32 to index
      %get3A_786 = arith.index_cast %add3A_633 : i32 to index
      %get3A_787 = arith.constant 32 : index
      %get3A_788 = tpu.vector_load %arg7[%get3A_785, %get3A_786, %get3A_787] {strides = array<i32>} : memref<4x64x128xf32, #tpu.memory_space<vmem>>, vector<1x1x16xf32>,
      %get3A_789 = vector.shape_cast %get3A_788 : vector<1x1x16xf32> to vector<16xf32>
      %add3A_790 = arith.addf %get3A_789, %get3A_755 : vector<16xf32>
      %swap3A_791 = arith.constant 2 : i32
      %swap3A_792 = arith.index_cast %swap3A_791 : i32 to index
      %swap3A_793 = arith.index_cast %add3A_633 : i32 to index
      %swap3A_794 = arith.constant 32 : index
      %swap3A_795 = tpu.vector_load %arg7[%swap3A_792, %swap3A_793, %swap3A_794] {strides = array<i32>} : memref<4x64x128xf32, #tpu.memory_space<vmem>>, vector<1x1x16xf32>,
      %swap3A_796 = vector.shape_cast %swap3A_795 : vector<1x1x16xf32> to vector<16xf32>
      %swap3A_797 = vector.shape_cast %add3A_790 : vector<16xf32> to vector<1x1x16xf32>
      tpu.vector_store %arg7[%swap3A_792, %swap3A_793, %swap3A_794], %swap3A_797 {strides = array<i32>} : memref<4x64x128xf32, #tpu.memory_space<vmem>>, vector<1x1x16xf32>,
      %get3A_798 = arith.constant 3 : i32
      %get3A_799 = arith.index_cast %get3A_798 : i32 to index
      %get3A_800 = arith.index_cast %add3A_633 : i32 to index
      %get3A_801 = arith.constant 32 : index
      %get3A_802 = tpu.vector_load %arg7[%get3A_799, %get3A_800, %get3A_801] {strides = array<i32>} : memref<4x64x128xf32, #tpu.memory_space<vmem>>, vector<1x1x16xf32>,
      %get3A_803 = vector.shape_cast %get3A_802 : vector<1x1x16xf32> to vector<16xf32>
      %add3A_804 = arith.addf %get3A_803, %get3A_755 : vector<16xf32>
      %swap3A_805 = arith.constant 3 : i32
      %swap3A_806 = arith.index_cast %swap3A_805 : i32 to index
      %swap3A_807 = arith.index_cast %add3A_633 : i32 to index
      %swap3A_808 = arith.constant 32 : index
      %swap3A_809 = tpu.vector_load %arg7[%swap3A_806, %swap3A_807, %swap3A_808] {strides = array<i32>} : memref<4x64x128xf32, #tpu.memory_space<vmem>>, vector<1x1x16xf32>,
      %swap3A_810 = vector.shape_cast %swap3A_809 : vector<1x1x16xf32> to vector<16xf32>
      %swap3A_811 = vector.shape_cast %add3A_804 : vector<16xf32> to vector<1x1x16xf32>
      tpu.vector_store %arg7[%swap3A_806, %swap3A_807, %swap3A_808], %swap3A_811 {strides = array<i32>} : memref<4x64x128xf32, #tpu.memory_space<vmem>>, vector<1x1x16xf32>,
      %get3A_812 = arith.index_cast %add3A_633 : i32 to index
      %get3A_813 = arith.constant 48 : index
      %get3A_814 = tpu.vector_load %arg8[%get3A_812, %get3A_813] {strides = array<i32>} : memref<64x128xf32, #tpu.memory_space<vmem>>, vector<1x16xf32>,
      %get3A_815 = vector.shape_cast %get3A_814 : vector<1x16xf32> to vector<16xf32>
      %get3A_816 = arith.constant 0 : i32
      %get3A_817 = arith.index_cast %get3A_816 : i32 to index
      %get3A_818 = arith.index_cast %add3A_633 : i32 to index
      %get3A_819 = arith.constant 48 : index
      %get3A_820 = tpu.vector_load %arg7[%get3A_817, %get3A_818, %get3A_819] {strides = array<i32>} : memref<4x64x128xf32, #tpu.memory_space<vmem>>, vector<1x1x16xf32>,
      %get3A_821 = vector.shape_cast %get3A_820 : vector<1x1x16xf32> to vector<16xf32>
      %add3A_822 = arith.addf %get3A_821, %get3A_815 : vector<16xf32>
      %swap3A_823 = arith.constant 0 : i32
      %swap3A_824 = arith.index_cast %swap3A_823 : i32 to index
      %swap3A_825 = arith.index_cast %add3A_633 : i32 to index
      %swap3A_826 = arith.constant 48 : index
      %swap3A_827 = tpu.vector_load %arg7[%swap3A_824, %swap3A_825, %swap3A_826] {strides = array<i32>} : memref<4x64x128xf32, #tpu.memory_space<vmem>>, vector<1x1x16xf32>,
      %swap3A_828 = vector.shape_cast %swap3A_827 : vector<1x1x16xf32> to vector<16xf32>
      %swap3A_829 = vector.shape_cast %add3A_822 : vector<16xf32> to vector<1x1x16xf32>
      tpu.vector_store %arg7[%swap3A_824, %swap3A_825, %swap3A_826], %swap3A_829 {strides = array<i32>} : memref<4x64x128xf32, #tpu.memory_space<vmem>>, vector<1x1x16xf32>,
      %get3A_830 = arith.constant 1 : i32
      %get3A_831 = arith.index_cast %get3A_830 : i32 to index
      %get3A_832 = arith.index_cast %add3A_633 : i32 to index
      %get3A_833 = arith.constant 48 : index
      %get3A_834 = tpu.vector_load %arg7[%get3A_831, %get3A_832, %get3A_833] {strides = array<i32>} : memref<4x64x128xf32, #tpu.memory_space<vmem>>, vector<1x1x16xf32>,
      %get3A_835 = vector.shape_cast %get3A_834 : vector<1x1x16xf32> to vector<16xf32>
      %add3A_836 = arith.addf %get3A_835, %get3A_815 : vector<16xf32>
      %swap3A_837 = arith.constant 1 : i32
      %swap3A_838 = arith.index_cast %swap3A_837 : i32 to index
      %swap3A_839 = arith.index_cast %add3A_633 : i32 to index
      %swap3A_840 = arith.constant 48 : index
      %swap3A_841 = tpu.vector_load %arg7[%swap3A_838, %swap3A_839, %swap3A_840] {strides = array<i32>} : memref<4x64x128xf32, #tpu.memory_space<vmem>>, vector<1x1x16xf32>,
      %swap3A_842 = vector.shape_cast %swap3A_841 : vector<1x1x16xf32> to vector<16xf32>
      %swap3A_843 = vector.shape_cast %add3A_836 : vector<16xf32> to vector<1x1x16xf32>
      tpu.vector_store %arg7[%swap3A_838, %swap3A_839, %swap3A_840], %swap3A_843 {strides = array<i32>} : memref<4x64x128xf32, #tpu.memory_space<vmem>>, vector<1x1x16xf32>,
      %get3A_844 = arith.constant 2 : i32
      %get3A_845 = arith.index_cast %get3A_844 : i32 to index
      %get3A_846 = arith.index_cast %add3A_633 : i32 to index
      %get3A_847 = arith.constant 48 : index
      %get3A_848 = tpu.vector_load %arg7[%get3A_845, %get3A_846, %get3A_847] {strides = array<i32>} : memref<4x64x128xf32, #tpu.memory_space<vmem>>, vector<1x1x16xf32>,
      %get3A_849 = vector.shape_cast %get3A_848 : vector<1x1x16xf32> to vector<16xf32>
      %add3A_850 = arith.addf %get3A_849, %get3A_815 : vector<16xf32>
      %swap3A_851 = arith.constant 2 : i32
      %swap3A_852 = arith.index_cast %swap3A_851 : i32 to index
      %swap3A_853 = arith.index_cast %add3A_633 : i32 to index
      %swap3A_854 = arith.constant 48 : index
      %swap3A_855 = tpu.vector_load %arg7[%swap3A_852, %swap3A_853, %swap3A_854] {strides = array<i32>} : memref<4x64x128xf32, #tpu.memory_space<vmem>>, vector<1x1x16xf32>,
      %swap3A_856 = vector.shape_cast %swap3A_855 : vector<1x1x16xf32> to vector<16xf32>
      %swap3A_857 = vector.shape_cast %add3A_850 : vector<16xf32> to vector<1x1x16xf32>
      tpu.vector_store %arg7[%swap3A_852, %swap3A_853, %swap3A_854], %swap3A_857 {strides = array<i32>} : memref<4x64x128xf32, #tpu.memory_space<vmem>>, vector<1x1x16xf32>,
      %get3A_858 = arith.constant 3 : i32
      %get3A_859 = arith.index_cast %get3A_858 : i32 to index
      %get3A_860 = arith.index_cast %add3A_633 : i32 to index
      %get3A_861 = arith.constant 48 : index
      %get3A_862 = tpu.vector_load %arg7[%get3A_859, %get3A_860, %get3A_861] {strides = array<i32>} : memref<4x64x128xf32, #tpu.memory_space<vmem>>, vector<1x1x16xf32>,
      %get3A_863 = vector.shape_cast %get3A_862 : vector<1x1x16xf32> to vector<16xf32>
      %add3A_864 = arith.addf %get3A_863, %get3A_815 : vector<16xf32>
      %swap3A_865 = arith.constant 3 : i32
      %swap3A_866 = arith.index_cast %swap3A_865 : i32 to index
      %swap3A_867 = arith.index_cast %add3A_633 : i32 to index
      %swap3A_868 = arith.constant 48 : index
      %swap3A_869 = tpu.vector_load %arg7[%swap3A_866, %swap3A_867, %swap3A_868] {strides = array<i32>} : memref<4x64x128xf32, #tpu.memory_space<vmem>>, vector<1x1x16xf32>,
      %swap3A_870 = vector.shape_cast %swap3A_869 : vector<1x1x16xf32> to vector<16xf32>
      %swap3A_871 = vector.shape_cast %add3A_864 : vector<16xf32> to vector<1x1x16xf32>
      tpu.vector_store %arg7[%swap3A_866, %swap3A_867, %swap3A_868], %swap3A_871 {strides = array<i32>} : memref<4x64x128xf32, #tpu.memory_space<vmem>>, vector<1x1x16xf32>,
      %get3A_872 = arith.index_cast %add3A_633 : i32 to index
      %get3A_873 = arith.constant 64 : index
      %get3A_874 = tpu.vector_load %arg8[%get3A_872, %get3A_873] {strides = array<i32>} : memref<64x128xf32, #tpu.memory_space<vmem>>, vector<1x16xf32>,
      %get3A_875 = vector.shape_cast %get3A_874 : vector<1x16xf32> to vector<16xf32>
      %get3A_876 = arith.constant 0 : i32
      %get3A_877 = arith.index_cast %get3A_876 : i32 to index
      %get3A_878 = arith.index_cast %add3A_633 : i32 to index
      %get3A_879 = arith.constant 64 : index
      %get3A_880 = tpu.vector_load %arg7[%get3A_877, %get3A_878, %get3A_879] {strides = array<i32>} : memref<4x64x128xf32, #tpu.memory_space<vmem>>, vector<1x1x16xf32>,
      %get3A_881 = vector.shape_cast %get3A_880 : vector<1x1x16xf32> to vector<16xf32>
      %add3A_882 = arith.addf %get3A_881, %get3A_875 : vector<16xf32>
      %swap3A_883 = arith.constant 0 : i32
      %swap3A_884 = arith.index_cast %swap3A_883 : i32 to index
      %swap3A_885 = arith.index_cast %add3A_633 : i32 to index
      %swap3A_886 = arith.constant 64 : index
      %swap3A_887 = tpu.vector_load %arg7[%swap3A_884, %swap3A_885, %swap3A_886] {strides = array<i32>} : memref<4x64x128xf32, #tpu.memory_space<vmem>>, vector<1x1x16xf32>,
      %swap3A_888 = vector.shape_cast %swap3A_887 : vector<1x1x16xf32> to vector<16xf32>
      %swap3A_889 = vector.shape_cast %add3A_882 : vector<16xf32> to vector<1x1x16xf32>
      tpu.vector_store %arg7[%swap3A_884, %swap3A_885, %swap3A_886], %swap3A_889 {strides = array<i32>} : memref<4x64x128xf32, #tpu.memory_space<vmem>>, vector<1x1x16xf32>,
      %get3A_890 = arith.constant 1 : i32
      %get3A_891 = arith.index_cast %get3A_890 : i32 to index
      %get3A_892 = arith.index_cast %add3A_633 : i32 to index
      %get3A_893 = arith.constant 64 : index
      %get3A_894 = tpu.vector_load %arg7[%get3A_891, %get3A_892, %get3A_893] {strides = array<i32>} : memref<4x64x128xf32, #tpu.memory_space<vmem>>, vector<1x1x16xf32>,
      %get3A_895 = vector.shape_cast %get3A_894 : vector<1x1x16xf32> to vector<16xf32>
      %add3A_896 = arith.addf %get3A_895, %get3A_875 : vector<16xf32>
      %swap3A_897 = arith.constant 1 : i32
      %swap3A_898 = arith.index_cast %swap3A_897 : i32 to index
      %swap3A_899 = arith.index_cast %add3A_633 : i32 to index
      %swap3A_900 = arith.constant 64 : index
      %swap3A_901 = tpu.vector_load %arg7[%swap3A_898, %swap3A_899, %swap3A_900] {strides = array<i32>} : memref<4x64x128xf32, #tpu.memory_space<vmem>>, vector<1x1x16xf32>,
      %swap3A_902 = vector.shape_cast %swap3A_901 : vector<1x1x16xf32> to vector<16xf32>
      %swap3A_903 = vector.shape_cast %add3A_896 : vector<16xf32> to vector<1x1x16xf32>
      tpu.vector_store %arg7[%swap3A_898, %swap3A_899, %swap3A_900], %swap3A_903 {strides = array<i32>} : memref<4x64x128xf32, #tpu.memory_space<vmem>>, vector<1x1x16xf32>,
      %get3A_904 = arith.constant 2 : i32
      %get3A_905 = arith.index_cast %get3A_904 : i32 to index
      %get3A_906 = arith.index_cast %add3A_633 : i32 to index
      %get3A_907 = arith.constant 64 : index
      %get3A_908 = tpu.vector_load %arg7[%get3A_905, %get3A_906, %get3A_907] {strides = array<i32>} : memref<4x64x128xf32, #tpu.memory_space<vmem>>, vector<1x1x16xf32>,
      %get3A_909 = vector.shape_cast %get3A_908 : vector<1x1x16xf32> to vector<16xf32>
      %add3A_910 = arith.addf %get3A_909, %get3A_875 : vector<16xf32>
      %swap3A_911 = arith.constant 2 : i32
      %swap3A_912 = arith.index_cast %swap3A_911 : i32 to index
      %swap3A_913 = arith.index_cast %add3A_633 : i32 to index
      %swap3A_914 = arith.constant 64 : index
      %swap3A_915 = tpu.vector_load %arg7[%swap3A_912, %swap3A_913, %swap3A_914] {strides = array<i32>} : memref<4x64x128xf32, #tpu.memory_space<vmem>>, vector<1x1x16xf32>,
      %swap3A_916 = vector.shape_cast %swap3A_915 : vector<1x1x16xf32> to vector<16xf32>
      %swap3A_917 = vector.shape_cast %add3A_910 : vector<16xf32> to vector<1x1x16xf32>
      tpu.vector_store %arg7[%swap3A_912, %swap3A_913, %swap3A_914], %swap3A_917 {strides = array<i32>} : memref<4x64x128xf32, #tpu.memory_space<vmem>>, vector<1x1x16xf32>,
      %get3A_918 = arith.constant 3 : i32
      %get3A_919 = arith.index_cast %get3A_918 : i32 to index
      %get3A_920 = arith.index_cast %add3A_633 : i32 to index
      %get3A_921 = arith.constant 64 : index
      %get3A_922 = tpu.vector_load %arg7[%get3A_919, %get3A_920, %get3A_921] {strides = array<i32>} : memref<4x64x128xf32, #tpu.memory_space<vmem>>, vector<1x1x16xf32>,
      %get3A_923 = vector.shape_cast %get3A_922 : vector<1x1x16xf32> to vector<16xf32>
      %add3A_924 = arith.addf %get3A_923, %get3A_875 : vector<16xf32>
      %swap3A_925 = arith.constant 3 : i32
      %swap3A_926 = arith.index_cast %swap3A_925 : i32 to index
      %swap3A_927 = arith.index_cast %add3A_633 : i32 to index
      %swap3A_928 = arith.constant 64 : index
      %swap3A_929 = tpu.vector_load %arg7[%swap3A_926, %swap3A_927, %swap3A_928] {strides = array<i32>} : memref<4x64x128xf32, #tpu.memory_space<vmem>>, vector<1x1x16xf32>,
      %swap3A_930 = vector.shape_cast %swap3A_929 : vector<1x1x16xf32> to vector<16xf32>
      %swap3A_931 = vector.shape_cast %add3A_924 : vector<16xf32> to vector<1x1x16xf32>
      tpu.vector_store %arg7[%swap3A_926, %swap3A_927, %swap3A_928], %swap3A_931 {strides = array<i32>} : memref<4x64x128xf32, #tpu.memory_space<vmem>>, vector<1x1x16xf32>,
      %get3A_932 = arith.index_cast %add3A_633 : i32 to index
      %get3A_933 = arith.constant 80 : index
      %get3A_934 = tpu.vector_load %arg8[%get3A_932, %get3A_933] {strides = array<i32>} : memref<64x128xf32, #tpu.memory_space<vmem>>, vector<1x16xf32>,
      %get3A_935 = vector.shape_cast %get3A_934 : vector<1x16xf32> to vector<16xf32>
      %get3A_936 = arith.constant 0 : i32
      %get3A_937 = arith.index_cast %get3A_936 : i32 to index
      %get3A_938 = arith.index_cast %add3A_633 : i32 to index
      %get3A_939 = arith.constant 80 : index
      %get3A_940 = tpu.vector_load %arg7[%get3A_937, %get3A_938, %get3A_939] {strides = array<i32>} : memref<4x64x128xf32, #tpu.memory_space<vmem>>, vector<1x1x16xf32>,
      %get3A_941 = vector.shape_cast %get3A_940 : vector<1x1x16xf32> to vector<16xf32>
      %add3A_942 = arith.addf %get3A_941, %get3A_935 : vector<16xf32>
      %swap3A_943 = arith.constant 0 : i32
      %swap3A_944 = arith.index_cast %swap3A_943 : i32 to index
      %swap3A_945 = arith.index_cast %add3A_633 : i32 to index
      %swap3A_946 = arith.constant 80 : index
      %swap3A_947 = tpu.vector_load %arg7[%swap3A_944, %swap3A_945, %swap3A_946] {strides = array<i32>} : memref<4x64x128xf32, #tpu.memory_space<vmem>>, vector<1x1x16xf32>,
      %swap3A_948 = vector.shape_cast %swap3A_947 : vector<1x1x16xf32> to vector<16xf32>
      %swap3A_949 = vector.shape_cast %add3A_942 : vector<16xf32> to vector<1x1x16xf32>
      tpu.vector_store %arg7[%swap3A_944, %swap3A_945, %swap3A_946], %swap3A_949 {strides = array<i32>} : memref<4x64x128xf32, #tpu.memory_space<vmem>>, vector<1x1x16xf32>,
      %get3A_950 = arith.constant 1 : i32
      %get3A_951 = arith.index_cast %get3A_950 : i32 to index
      %get3A_952 = arith.index_cast %add3A_633 : i32 to index
      %get3A_953 = arith.constant 80 : index
      %get3A_954 = tpu.vector_load %arg7[%get3A_951, %get3A_952, %get3A_953] {strides = array<i32>} : memref<4x64x128xf32, #tpu.memory_space<vmem>>, vector<1x1x16xf32>,
      %get3A_955 = vector.shape_cast %get3A_954 : vector<1x1x16xf32> to vector<16xf32>
      %add3A_956 = arith.addf %get3A_955, %get3A_935 : vector<16xf32>
      %swap3A_957 = arith.constant 1 : i32
      %swap3A_958 = arith.index_cast %swap3A_957 : i32 to index
      %swap3A_959 = arith.index_cast %add3A_633 : i32 to index
      %swap3A_960 = arith.constant 80 : index
      %swap3A_961 = tpu.vector_load %arg7[%swap3A_958, %swap3A_959, %swap3A_960] {strides = array<i32>} : memref<4x64x128xf32, #tpu.memory_space<vmem>>, vector<1x1x16xf32>,
      %swap3A_962 = vector.shape_cast %swap3A_961 : vector<1x1x16xf32> to vector<16xf32>
      %swap3A_963 = vector.shape_cast %add3A_956 : vector<16xf32> to vector<1x1x16xf32>
      tpu.vector_store %arg7[%swap3A_958, %swap3A_959, %swap3A_960], %swap3A_963 {strides = array<i32>} : memref<4x64x128xf32, #tpu.memory_space<vmem>>, vector<1x1x16xf32>,
      %get3A_964 = arith.constant 2 : i32
      %get3A_965 = arith.index_cast %get3A_964 : i32 to index
      %get3A_966 = arith.index_cast %add3A_633 : i32 to index
      %get3A_967 = arith.constant 80 : index
      %get3A_968 = tpu.vector_load %arg7[%get3A_965, %get3A_966, %get3A_967] {strides = array<i32>} : memref<4x64x128xf32, #tpu.memory_space<vmem>>, vector<1x1x16xf32>,
      %get3A_969 = vector.shape_cast %get3A_968 : vector<1x1x16xf32> to vector<16xf32>
      %add3A_970 = arith.addf %get3A_969, %get3A_935 : vector<16xf32>
      %swap3A_971 = arith.constant 2 : i32
      %swap3A_972 = arith.index_cast %swap3A_971 : i32 to index
      %swap3A_973 = arith.index_cast %add3A_633 : i32 to index
      %swap3A_974 = arith.constant 80 : index
      %swap3A_975 = tpu.vector_load %arg7[%swap3A_972, %swap3A_973, %swap3A_974] {strides = array<i32>} : memref<4x64x128xf32, #tpu.memory_space<vmem>>, vector<1x1x16xf32>,
      %swap3A_976 = vector.shape_cast %swap3A_975 : vector<1x1x16xf32> to vector<16xf32>
      %swap3A_977 = vector.shape_cast %add3A_970 : vector<16xf32> to vector<1x1x16xf32>
      tpu.vector_store %arg7[%swap3A_972, %swap3A_973, %swap3A_974], %swap3A_977 {strides = array<i32>} : memref<4x64x128xf32, #tpu.memory_space<vmem>>, vector<1x1x16xf32>,
      %get3A_978 = arith.constant 3 : i32
      %get3A_979 = arith.index_cast %get3A_978 : i32 to index
      %get3A_980 = arith.index_cast %add3A_633 : i32 to index
      %get3A_981 = arith.constant 80 : index
      %get3A_982 = tpu.vector_load %arg7[%get3A_979, %get3A_980, %get3A_981] {strides = array<i32>} : memref<4x64x128xf32, #tpu.memory_space<vmem>>, vector<1x1x16xf32>,
      %get3A_983 = vector.shape_cast %get3A_982 : vector<1x1x16xf32> to vector<16xf32>
      %add3A_984 = arith.addf %get3A_983, %get3A_935 : vector<16xf32>
      %swap3A_985 = arith.constant 3 : i32
      %swap3A_986 = arith.index_cast %swap3A_985 : i32 to index
      %swap3A_987 = arith.index_cast %add3A_633 : i32 to index
      %swap3A_988 = arith.constant 80 : index
      %swap3A_989 = tpu.vector_load %arg7[%swap3A_986, %swap3A_987, %swap3A_988] {strides = array<i32>} : memref<4x64x128xf32, #tpu.memory_space<vmem>>, vector<1x1x16xf32>,
      %swap3A_990 = vector.shape_cast %swap3A_989 : vector<1x1x16xf32> to vector<16xf32>
      %swap3A_991 = vector.shape_cast %add3A_984 : vector<16xf32> to vector<1x1x16xf32>
      tpu.vector_store %arg7[%swap3A_986, %swap3A_987, %swap3A_988], %swap3A_991 {strides = array<i32>} : memref<4x64x128xf32, #tpu.memory_space<vmem>>, vector<1x1x16xf32>,
      %get3A_992 = arith.index_cast %add3A_633 : i32 to index
      %get3A_993 = arith.constant 96 : index
      %get3A_994 = tpu.vector_load %arg8[%get3A_992, %get3A_993] {strides = array<i32>} : memref<64x128xf32, #tpu.memory_space<vmem>>, vector<1x16xf32>,
      %get3A_995 = vector.shape_cast %get3A_994 : vector<1x16xf32> to vector<16xf32>
      %get3A_996 = arith.constant 0 : i32
      %get3A_997 = arith.index_cast %get3A_996 : i32 to index
      %get3A_998 = arith.index_cast %add3A_633 : i32 to index
      %get3A_999 = arith.constant 96 : index
      %get3A_1000 = tpu.vector_load %arg7[%get3A_997, %get3A_998, %get3A_999] {strides = array<i32>} : memref<4x64x128xf32, #tpu.memory_space<vmem>>, vector<1x1x16xf32>,
      %get3A_1001 = vector.shape_cast %get3A_1000 : vector<1x1x16xf32> to vector<16xf32>
      %add3A_1002 = arith.addf %get3A_1001, %get3A_995 : vector<16xf32>
      %swap3A_1003 = arith.constant 0 : i32
      %swap3A_1004 = arith.index_cast %swap3A_1003 : i32 to index
      %swap3A_1005 = arith.index_cast %add3A_633 : i32 to index
      %swap3A_1006 = arith.constant 96 : index
      %swap3A_1007 = tpu.vector_load %arg7[%swap3A_1004, %swap3A_1005, %swap3A_1006] {strides = array<i32>} : memref<4x64x128xf32, #tpu.memory_space<vmem>>, vector<1x1x16xf32>,
      %swap3A_1008 = vector.shape_cast %swap3A_1007 : vector<1x1x16xf32> to vector<16xf32>
      %swap3A_1009 = vector.shape_cast %add3A_1002 : vector<16xf32> to vector<1x1x16xf32>
      tpu.vector_store %arg7[%swap3A_1004, %swap3A_1005, %swap3A_1006], %swap3A_1009 {strides = array<i32>} : memref<4x64x128xf32, #tpu.memory_space<vmem>>, vector<1x1x16xf32>,
      %get3A_1010 = arith.constant 1 : i32
      %get3A_1011 = arith.index_cast %get3A_1010 : i32 to index
      %get3A_1012 = arith.index_cast %add3A_633 : i32 to index
      %get3A_1013 = arith.constant 96 : index
      %get3A_1014 = tpu.vector_load %arg7[%get3A_1011, %get3A_1012, %get3A_1013] {strides = array<i32>} : memref<4x64x128xf32, #tpu.memory_space<vmem>>, vector<1x1x16xf32>,
      %get3A_1015 = vector.shape_cast %get3A_1014 : vector<1x1x16xf32> to vector<16xf32>
      %add3A_1016 = arith.addf %get3A_1015, %get3A_995 : vector<16xf32>
      %swap3A_1017 = arith.constant 1 : i32
      %swap3A_1018 = arith.index_cast %swap3A_1017 : i32 to index
      %swap3A_1019 = arith.index_cast %add3A_633 : i32 to index
      %swap3A_1020 = arith.constant 96 : index
      %swap3A_1021 = tpu.vector_load %arg7[%swap3A_1018, %swap3A_1019, %swap3A_1020] {strides = array<i32>} : memref<4x64x128xf32, #tpu.memory_space<vmem>>, vector<1x1x16xf32>,
      %swap3A_1022 = vector.shape_cast %swap3A_1021 : vector<1x1x16xf32> to vector<16xf32>
      %swap3A_1023 = vector.shape_cast %add3A_1016 : vector<16xf32> to vector<1x1x16xf32>
      tpu.vector_store %arg7[%swap3A_1018, %swap3A_1019, %swap3A_1020], %swap3A_1023 {strides = array<i32>} : memref<4x64x128xf32, #tpu.memory_space<vmem>>, vector<1x1x16xf32>,
      %get3A_1024 = arith.constant 2 : i32
      %get3A_1025 = arith.index_cast %get3A_1024 : i32 to index
      %get3A_1026 = arith.index_cast %add3A_633 : i32 to index
      %get3A_1027 = arith.constant 96 : index
      %get3A_1028 = tpu.vector_load %arg7[%get3A_1025, %get3A_1026, %get3A_1027] {strides = array<i32>} : memref<4x64x128xf32, #tpu.memory_space<vmem>>, vector<1x1x16xf32>,
      %get3A_1029 = vector.shape_cast %get3A_1028 : vector<1x1x16xf32> to vector<16xf32>
      %add3A_1030 = arith.addf %get3A_1029, %get3A_995 : vector<16xf32>
      %swap3A_1031 = arith.constant 2 : i32
      %swap3A_1032 = arith.index_cast %swap3A_1031 : i32 to index
      %swap3A_1033 = arith.index_cast %add3A_633 : i32 to index
      %swap3A_1034 = arith.constant 96 : index
      %swap3A_1035 = tpu.vector_load %arg7[%swap3A_1032, %swap3A_1033, %swap3A_1034] {strides = array<i32>} : memref<4x64x128xf32, #tpu.memory_space<vmem>>, vector<1x1x16xf32>,
      %swap3A_1036 = vector.shape_cast %swap3A_1035 : vector<1x1x16xf32> to vector<16xf32>
      %swap3A_1037 = vector.shape_cast %add3A_1030 : vector<16xf32> to vector<1x1x16xf32>
      tpu.vector_store %arg7[%swap3A_1032, %swap3A_1033, %swap3A_1034], %swap3A_1037 {strides = array<i32>} : memref<4x64x128xf32, #tpu.memory_space<vmem>>, vector<1x1x16xf32>,
      %get3A_1038 = arith.constant 3 : i32
      %get3A_1039 = arith.index_cast %get3A_1038 : i32 to index
      %get3A_1040 = arith.index_cast %add3A_633 : i32 to index
      %get3A_1041 = arith.constant 96 : index
      %get3A_1042 = tpu.vector_load %arg7[%get3A_1039, %get3A_1040, %get3A_1041] {strides = array<i32>} : memref<4x64x128xf32, #tpu.memory_space<vmem>>, vector<1x1x16xf32>,
      %get3A_1043 = vector.shape_cast %get3A_1042 : vector<1x1x16xf32> to vector<16xf32>
      %add3A_1044 = arith.addf %get3A_1043, %get3A_995 : vector<16xf32>
      %swap3A_1045 = arith.constant 3 : i32
      %swap3A_1046 = arith.index_cast %swap3A_1045 : i32 to index
      %swap3A_1047 = arith.index_cast %add3A_633 : i32 to index
      %swap3A_1048 = arith.constant 96 : index
      %swap3A_1049 = tpu.vector_load %arg7[%swap3A_1046, %swap3A_1047, %swap3A_1048] {strides = array<i32>} : memref<4x64x128xf32, #tpu.memory_space<vmem>>, vector<1x1x16xf32>,
      %swap3A_1050 = vector.shape_cast %swap3A_1049 : vector<1x1x16xf32> to vector<16xf32>
      %swap3A_1051 = vector.shape_cast %add3A_1044 : vector<16xf32> to vector<1x1x16xf32>
      tpu.vector_store %arg7[%swap3A_1046, %swap3A_1047, %swap3A_1048], %swap3A_1051 {strides = array<i32>} : memref<4x64x128xf32, #tpu.memory_space<vmem>>, vector<1x1x16xf32>,
      %get3A_1052 = arith.index_cast %add3A_633 : i32 to index
      %get3A_1053 = arith.constant 112 : index
      %get3A_1054 = tpu.vector_load %arg8[%get3A_1052, %get3A_1053] {strides = array<i32>} : memref<64x128xf32, #tpu.memory_space<vmem>>, vector<1x16xf32>,
      %get3A_1055 = vector.shape_cast %get3A_1054 : vector<1x16xf32> to vector<16xf32>
      %get3A_1056 = arith.constant 0 : i32
      %get3A_1057 = arith.index_cast %get3A_1056 : i32 to index
      %get3A_1058 = arith.index_cast %add3A_633 : i32 to index
      %get3A_1059 = arith.constant 112 : index
      %get3A_1060 = tpu.vector_load %arg7[%get3A_1057, %get3A_1058, %get3A_1059] {strides = array<i32>} : memref<4x64x128xf32, #tpu.memory_space<vmem>>, vector<1x1x16xf32>,
      %get3A_1061 = vector.shape_cast %get3A_1060 : vector<1x1x16xf32> to vector<16xf32>
      %add3A_1062 = arith.addf %get3A_1061, %get3A_1055 : vector<16xf32>
      %swap3A_1063 = arith.constant 0 : i32
      %swap3A_1064 = arith.index_cast %swap3A_1063 : i32 to index
      %swap3A_1065 = arith.index_cast %add3A_633 : i32 to index
      %swap3A_1066 = arith.constant 112 : index
      %swap3A_1067 = tpu.vector_load %arg7[%swap3A_1064, %swap3A_1065, %swap3A_1066] {strides = array<i32>} : memref<4x64x128xf32, #tpu.memory_space<vmem>>, vector<1x1x16xf32>,
      %swap3A_1068 = vector.shape_cast %swap3A_1067 : vector<1x1x16xf32> to vector<16xf32>
      %swap3A_1069 = vector.shape_cast %add3A_1062 : vector<16xf32> to vector<1x1x16xf32>
      tpu.vector_store %arg7[%swap3A_1064, %swap3A_1065, %swap3A_1066], %swap3A_1069 {strides = array<i32>} : memref<4x64x128xf32, #tpu.memory_space<vmem>>, vector<1x1x16xf32>,
      %get3A_1070 = arith.constant 1 : i32
      %get3A_1071 = arith.index_cast %get3A_1070 : i32 to index
      %get3A_1072 = arith.index_cast %add3A_633 : i32 to index
      %get3A_1073 = arith.constant 112 : index
      %get3A_1074 = tpu.vector_load %arg7[%get3A_1071, %get3A_1072, %get3A_1073] {strides = array<i32>} : memref<4x64x128xf32, #tpu.memory_space<vmem>>, vector<1x1x16xf32>,
      %get3A_1075 = vector.shape_cast %get3A_1074 : vector<1x1x16xf32> to vector<16xf32>
      %add3A_1076 = arith.addf %get3A_1075, %get3A_1055 : vector<16xf32>
      %swap3A_1077 = arith.constant 1 : i32
      %swap3A_1078 = arith.index_cast %swap3A_1077 : i32 to index
      %swap3A_1079 = arith.index_cast %add3A_633 : i32 to index
      %swap3A_1080 = arith.constant 112 : index
      %swap3A_1081 = tpu.vector_load %arg7[%swap3A_1078, %swap3A_1079, %swap3A_1080] {strides = array<i32>} : memref<4x64x128xf32, #tpu.memory_space<vmem>>, vector<1x1x16xf32>,
      %swap3A_1082 = vector.shape_cast %swap3A_1081 : vector<1x1x16xf32> to vector<16xf32>
      %swap3A_1083 = vector.shape_cast %add3A_1076 : vector<16xf32> to vector<1x1x16xf32>
      tpu.vector_store %arg7[%swap3A_1078, %swap3A_1079, %swap3A_1080], %swap3A_1083 {strides = array<i32>} : memref<4x64x128xf32, #tpu.memory_space<vmem>>, vector<1x1x16xf32>,
      %get3A_1084 = arith.constant 2 : i32
      %get3A_1085 = arith.index_cast %get3A_1084 : i32 to index
      %get3A_1086 = arith.index_cast %add3A_633 : i32 to index
      %get3A_1087 = arith.constant 112 : index
      %get3A_1088 = tpu.vector_load %arg7[%get3A_1085, %get3A_1086, %get3A_1087] {strides = array<i32>} : memref<4x64x128xf32, #tpu.memory_space<vmem>>, vector<1x1x16xf32>,
      %get3A_1089 = vector.shape_cast %get3A_1088 : vector<1x1x16xf32> to vector<16xf32>
      %add3A_1090 = arith.addf %get3A_1089, %get3A_1055 : vector<16xf32>
      %swap3A_1091 = arith.constant 2 : i32
      %swap3A_1092 = arith.index_cast %swap3A_1091 : i32 to index
      %swap3A_1093 = arith.index_cast %add3A_633 : i32 to index
      %swap3A_1094 = arith.constant 112 : index
      %swap3A_1095 = tpu.vector_load %arg7[%swap3A_1092, %swap3A_1093, %swap3A_1094] {strides = array<i32>} : memref<4x64x128xf32, #tpu.memory_space<vmem>>, vector<1x1x16xf32>,
      %swap3A_1096 = vector.shape_cast %swap3A_1095 : vector<1x1x16xf32> to vector<16xf32>
      %swap3A_1097 = vector.shape_cast %add3A_1090 : vector<16xf32> to vector<1x1x16xf32>
      tpu.vector_store %arg7[%swap3A_1092, %swap3A_1093, %swap3A_1094], %swap3A_1097 {strides = array<i32>} : memref<4x64x128xf32, #tpu.memory_space<vmem>>, vector<1x1x16xf32>,
      %get3A_1098 = arith.constant 3 : i32
      %get3A_1099 = arith.index_cast %get3A_1098 : i32 to index
      %get3A_1100 = arith.index_cast %add3A_633 : i32 to index
      %get3A_1101 = arith.constant 112 : index
      %get3A_1102 = tpu.vector_load %arg7[%get3A_1099, %get3A_1100, %get3A_1101] {strides = array<i32>} : memref<4x64x128xf32, #tpu.memory_space<vmem>>, vector<1x1x16xf32>,
      %get3A_1103 = vector.shape_cast %get3A_1102 : vector<1x1x16xf32> to vector<16xf32>
      %add3A_1104 = arith.addf %get3A_1103, %get3A_1055 : vector<16xf32>
      %swap3A_1105 = arith.constant 3 : i32
      %swap3A_1106 = arith.index_cast %swap3A_1105 : i32 to index
      %swap3A_1107 = arith.index_cast %add3A_633 : i32 to index
      %swap3A_1108 = arith.constant 112 : index
      %swap3A_1109 = tpu.vector_load %arg7[%swap3A_1106, %swap3A_1107, %swap3A_1108] {strides = array<i32>} : memref<4x64x128xf32, #tpu.memory_space<vmem>>, vector<1x1x16xf32>,
      %swap3A_1110 = vector.shape_cast %swap3A_1109 : vector<1x1x16xf32> to vector<16xf32>
      %swap3A_1111 = vector.shape_cast %add3A_1104 : vector<16xf32> to vector<1x1x16xf32>
      tpu.vector_store %arg7[%swap3A_1106, %swap3A_1107, %swap3A_1108], %swap3A_1111 {strides = array<i32>} : memref<4x64x128xf32, #tpu.memory_space<vmem>>, vector<1x1x16xf32>,
      %scan3A_1112 = arith.constant 0 : i32
      scf.yield %scan3A_1112 : i32
    }
    %scan3A_290 = arith.constant 32 : i32
    %add3A_291 = arith.constant 0 : i32
    %add3A_292 = arith.addi %mul3A_2, %add3A_291 : i32
    %dma_start3A_293 = arith.constant 0 : i32
    %dma_start3A_294 = arith.constant 0 : i32
    %dma_start3A_295 = arith.constant 0 : i32
    %dma_start3A_296 = arith.constant 0 : i32
    %dma_start3A_297 = tpu.memref_slice %arg7[%dma_start3A_293, %dma_start3A_295, %dma_start3A_296] : memref<4x64x128xf32, #tpu.memory_space<vmem>> -> memref<1x32x128xf32, #tpu.memory_space<vmem>>
    %dma_start3A_298 = tpu.memref_squeeze %dma_start3A_297 : memref<1x32x128xf32, #tpu.memory_space<vmem>> -> memref<32x128xf32, #tpu.memory_space<vmem>>
    %dma_start3A_299 = arith.constant 0 : i32
    %dma_start3A_300 = tpu.memref_slice %arg5[%dma_start3A_294, %add3A_292, %dma_start3A_299] : memref<4x2048x128xf32, #tpu.memory_space<hbm>> -> memref<1x32x128xf32, #tpu.memory_space<hbm>>
    %dma_start3A_301 = tpu.memref_squeeze %dma_start3A_300 : memref<1x32x128xf32, #tpu.memory_space<hbm>> -> memref<32x128xf32, #tpu.memory_space<hbm>>
    %dma_start3A_302 = arith.constant 0 : i32
    %dma_start3A_303 = tpu.memref_slice %arg5[%dma_start3A_294, %add3A_292, %dma_start3A_302] : memref<4x2048x128xf32, #tpu.memory_space<hbm>> -> memref<1x32x128xf32, #tpu.memory_space<hbm>>
    %dma_start3A_304 = tpu.memref_squeeze %dma_start3A_303 : memref<1x32x128xf32, #tpu.memory_space<hbm>> -> memref<32x128xf32, #tpu.memory_space<hbm>>
    %dma_start3A_305 = arith.constant 0 : i32
    %dma_start3A_306 = arith.constant 0 : i32
    %dma_start3A_307 = tpu.memref_slice %arg7[%dma_start3A_293, %dma_start3A_305, %dma_start3A_306] : memref<4x64x128xf32, #tpu.memory_space<vmem>> -> memref<1x32x128xf32, #tpu.memory_space<vmem>>
    %dma_start3A_308 = tpu.memref_squeeze %dma_start3A_307 : memref<1x32x128xf32, #tpu.memory_space<vmem>> -> memref<32x128xf32, #tpu.memory_space<vmem>>
    tpu.enqueue_dma source(%dma_start3A_308 : memref<32x128xf32, #tpu.memory_space<vmem>>) target(%dma_start3A_304 : memref<32x128xf32, #tpu.memory_space<hbm>>) target_semaphore(%arg10 : memref<!tpu.dma_semaphore, #tpu.memory_space<semaphore_mem>>)
    %add3A_309 = arith.constant 0 : i32
    %add3A_310 = arith.addi %mul3A_2, %add3A_309 : i32
    %dma_start3A_311 = arith.constant 1 : i32
    %dma_start3A_312 = arith.constant 1 : i32
    %dma_start3A_313 = arith.constant 0 : i32
    %dma_start3A_314 = arith.constant 0 : i32
    %dma_start3A_315 = tpu.memref_slice %arg7[%dma_start3A_311, %dma_start3A_313, %dma_start3A_314] : memref<4x64x128xf32, #tpu.memory_space<vmem>> -> memref<1x32x128xf32, #tpu.memory_space<vmem>>
    %dma_start3A_316 = tpu.memref_squeeze %dma_start3A_315 : memref<1x32x128xf32, #tpu.memory_space<vmem>> -> memref<32x128xf32, #tpu.memory_space<vmem>>
    %dma_start3A_317 = arith.constant 0 : i32
    %dma_start3A_318 = tpu.memref_slice %arg5[%dma_start3A_312, %add3A_310, %dma_start3A_317] : memref<4x2048x128xf32, #tpu.memory_space<hbm>> -> memref<1x32x128xf32, #tpu.memory_space<hbm>>
    %dma_start3A_319 = tpu.memref_squeeze %dma_start3A_318 : memref<1x32x128xf32, #tpu.memory_space<hbm>> -> memref<32x128xf32, #tpu.memory_space<hbm>>
    %dma_start3A_320 = arith.constant 0 : i32
    %dma_start3A_321 = tpu.memref_slice %arg5[%dma_start3A_312, %add3A_310, %dma_start3A_320] : memref<4x2048x128xf32, #tpu.memory_space<hbm>> -> memref<1x32x128xf32, #tpu.memory_space<hbm>>
    %dma_start3A_322 = tpu.memref_squeeze %dma_start3A_321 : memref<1x32x128xf32, #tpu.memory_space<hbm>> -> memref<32x128xf32, #tpu.memory_space<hbm>>
    %dma_start3A_323 = arith.constant 0 : i32
    %dma_start3A_324 = arith.constant 0 : i32
    %dma_start3A_325 = tpu.memref_slice %arg7[%dma_start3A_311, %dma_start3A_323, %dma_start3A_324] : memref<4x64x128xf32, #tpu.memory_space<vmem>> -> memref<1x32x128xf32, #tpu.memory_space<vmem>>
    %dma_start3A_326 = tpu.memref_squeeze %dma_start3A_325 : memref<1x32x128xf32, #tpu.memory_space<vmem>> -> memref<32x128xf32, #tpu.memory_space<vmem>>
    tpu.enqueue_dma source(%dma_start3A_326 : memref<32x128xf32, #tpu.memory_space<vmem>>) target(%dma_start3A_322 : memref<32x128xf32, #tpu.memory_space<hbm>>) target_semaphore(%arg10 : memref<!tpu.dma_semaphore, #tpu.memory_space<semaphore_mem>>)
    %add3A_327 = arith.constant 0 : i32
    %add3A_328 = arith.addi %mul3A_2, %add3A_327 : i32
    %dma_start3A_329 = arith.constant 2 : i32
    %dma_start3A_330 = arith.constant 2 : i32
    %dma_start3A_331 = arith.constant 0 : i32
    %dma_start3A_332 = arith.constant 0 : i32
    %dma_start3A_333 = tpu.memref_slice %arg7[%dma_start3A_329, %dma_start3A_331, %dma_start3A_332] : memref<4x64x128xf32, #tpu.memory_space<vmem>> -> memref<1x32x128xf32, #tpu.memory_space<vmem>>
    %dma_start3A_334 = tpu.memref_squeeze %dma_start3A_333 : memref<1x32x128xf32, #tpu.memory_space<vmem>> -> memref<32x128xf32, #tpu.memory_space<vmem>>
    %dma_start3A_335 = arith.constant 0 : i32
    %dma_start3A_336 = tpu.memref_slice %arg5[%dma_start3A_330, %add3A_328, %dma_start3A_335] : memref<4x2048x128xf32, #tpu.memory_space<hbm>> -> memref<1x32x128xf32, #tpu.memory_space<hbm>>
    %dma_start3A_337 = tpu.memref_squeeze %dma_start3A_336 : memref<1x32x128xf32, #tpu.memory_space<hbm>> -> memref<32x128xf32, #tpu.memory_space<hbm>>
    %dma_start3A_338 = arith.constant 0 : i32
    %dma_start3A_339 = tpu.memref_slice %arg5[%dma_start3A_330, %add3A_328, %dma_start3A_338] : memref<4x2048x128xf32, #tpu.memory_space<hbm>> -> memref<1x32x128xf32, #tpu.memory_space<hbm>>
    %dma_start3A_340 = tpu.memref_squeeze %dma_start3A_339 : memref<1x32x128xf32, #tpu.memory_space<hbm>> -> memref<32x128xf32, #tpu.memory_space<hbm>>
    %dma_start3A_341 = arith.constant 0 : i32
    %dma_start3A_342 = arith.constant 0 : i32
    %dma_start3A_343 = tpu.memref_slice %arg7[%dma_start3A_329, %dma_start3A_341, %dma_start3A_342] : memref<4x64x128xf32, #tpu.memory_space<vmem>> -> memref<1x32x128xf32, #tpu.memory_space<vmem>>
    %dma_start3A_344 = tpu.memref_squeeze %dma_start3A_343 : memref<1x32x128xf32, #tpu.memory_space<vmem>> -> memref<32x128xf32, #tpu.memory_space<vmem>>
    tpu.enqueue_dma source(%dma_start3A_344 : memref<32x128xf32, #tpu.memory_space<vmem>>) target(%dma_start3A_340 : memref<32x128xf32, #tpu.memory_space<hbm>>) target_semaphore(%arg10 : memref<!tpu.dma_semaphore, #tpu.memory_space<semaphore_mem>>)
    %add3A_345 = arith.constant 0 : i32
    %add3A_346 = arith.addi %mul3A_2, %add3A_345 : i32
    %dma_start3A_347 = arith.constant 3 : i32
    %dma_start3A_348 = arith.constant 3 : i32
    %dma_start3A_349 = arith.constant 0 : i32
    %dma_start3A_350 = arith.constant 0 : i32
    %dma_start3A_351 = tpu.memref_slice %arg7[%dma_start3A_347, %dma_start3A_349, %dma_start3A_350] : memref<4x64x128xf32, #tpu.memory_space<vmem>> -> memref<1x32x128xf32, #tpu.memory_space<vmem>>
    %dma_start3A_352 = tpu.memref_squeeze %dma_start3A_351 : memref<1x32x128xf32, #tpu.memory_space<vmem>> -> memref<32x128xf32, #tpu.memory_space<vmem>>
    %dma_start3A_353 = arith.constant 0 : i32
    %dma_start3A_354 = tpu.memref_slice %arg5[%dma_start3A_348, %add3A_346, %dma_start3A_353] : memref<4x2048x128xf32, #tpu.memory_space<hbm>> -> memref<1x32x128xf32, #tpu.memory_space<hbm>>
    %dma_start3A_355 = tpu.memref_squeeze %dma_start3A_354 : memref<1x32x128xf32, #tpu.memory_space<hbm>> -> memref<32x128xf32, #tpu.memory_space<hbm>>
    %dma_start3A_356 = arith.constant 0 : i32
    %dma_start3A_357 = tpu.memref_slice %arg5[%dma_start3A_348, %add3A_346, %dma_start3A_356] : memref<4x2048x128xf32, #tpu.memory_space<hbm>> -> memref<1x32x128xf32, #tpu.memory_space<hbm>>
    %dma_start3A_358 = tpu.memref_squeeze %dma_start3A_357 : memref<1x32x128xf32, #tpu.memory_space<hbm>> -> memref<32x128xf32, #tpu.memory_space<hbm>>
    %dma_start3A_359 = arith.constant 0 : i32
    %dma_start3A_360 = arith.constant 0 : i32
    %dma_start3A_361 = tpu.memref_slice %arg7[%dma_start3A_347, %dma_start3A_359, %dma_start3A_360] : memref<4x64x128xf32, #tpu.memory_space<vmem>> -> memref<1x32x128xf32, #tpu.memory_space<vmem>>
    %dma_start3A_362 = tpu.memref_squeeze %dma_start3A_361 : memref<1x32x128xf32, #tpu.memory_space<vmem>> -> memref<32x128xf32, #tpu.memory_space<vmem>>
    tpu.enqueue_dma source(%dma_start3A_362 : memref<32x128xf32, #tpu.memory_space<vmem>>) target(%dma_start3A_358 : memref<32x128xf32, #tpu.memory_space<hbm>>) target_semaphore(%arg10 : memref<!tpu.dma_semaphore, #tpu.memory_space<semaphore_mem>>)
    %dma_wait3A_363 = arith.constant 0 : i32
    %dma_wait3A_364 = arith.constant 0 : i32
    %dma_wait3A_365 = arith.constant 4 : i32
    %dma_wait3A_366 = arith.constant 32 : i32
    %dma_wait3A_367 = arith.constant 0 : i32
    %dma_wait3A_368 = tpu.memref_slice %arg7[%dma_wait3A_364, %dma_wait3A_366, %dma_wait3A_367] : memref<4x64x128xf32, #tpu.memory_space<vmem>> -> memref<1x32x128xf32, #tpu.memory_space<vmem>>
    %dma_wait3A_369 = tpu.memref_squeeze %dma_wait3A_368 : memref<1x32x128xf32, #tpu.memory_space<vmem>> -> memref<32x128xf32, #tpu.memory_space<vmem>>
    %dma_wait3A_370 = arith.constant 32 : i32
    %dma_wait3A_371 = tpu.memref_slice %arg6[%dma_wait3A_363, %dma_wait3A_370] : memref<4x64xi32, #tpu.memory_space<vmem>> -> memref<1x32xi32, #tpu.memory_space<vmem>>
    %dma_wait3A_372 = tpu.memref_squeeze %dma_wait3A_371 : memref<1x32xi32, #tpu.memory_space<vmem>> -> memref<32xi32, #tpu.memory_space<vmem>>
    %dma_wait3A_373 = arith.constant 0 : i32
    %dma_wait3A_374 = arith.constant 0 : i32
    %dma_wait3A_375 = tpu.memref_slice %arg3[%dma_wait3A_373, %dma_wait3A_374] : memref<100000x128xf32, #tpu.memory_space<hbm>> -> memref<100000x128xf32, #tpu.memory_space<hbm>>
    %dma_wait3A_376 = tpu.memref_slice %arg9[%dma_wait3A_365] : memref<8x!tpu.dma_semaphore, #tpu.memory_space<semaphore_mem>> -> memref<1x!tpu.dma_semaphore, #tpu.memory_space<semaphore_mem>>
    %dma_wait3A_377 = tpu.memref_squeeze %dma_wait3A_376 : memref<1x!tpu.dma_semaphore, #tpu.memory_space<semaphore_mem>> -> memref<!tpu.dma_semaphore, #tpu.memory_space<semaphore_mem>>
    tpu.wait_indirect_dma semaphore(%dma_wait3A_377 : memref<!tpu.dma_semaphore, #tpu.memory_space<semaphore_mem>>) src(%dma_wait3A_375 : memref<100000x128xf32, #tpu.memory_space<hbm>>) dst(%dma_wait3A_369 : memref<32x128xf32, #tpu.memory_space<vmem>>)
    %dma_wait3A_378 = arith.constant 1 : i32
    %dma_wait3A_379 = arith.constant 1 : i32
    %dma_wait3A_380 = arith.constant 5 : i32
    %dma_wait3A_381 = arith.constant 32 : i32
    %dma_wait3A_382 = arith.constant 0 : i32
    %dma_wait3A_383 = tpu.memref_slice %arg7[%dma_wait3A_379, %dma_wait3A_381, %dma_wait3A_382] : memref<4x64x128xf32, #tpu.memory_space<vmem>> -> memref<1x32x128xf32, #tpu.memory_space<vmem>>
    %dma_wait3A_384 = tpu.memref_squeeze %dma_wait3A_383 : memref<1x32x128xf32, #tpu.memory_space<vmem>> -> memref<32x128xf32, #tpu.memory_space<vmem>>
    %dma_wait3A_385 = arith.constant 32 : i32
    %dma_wait3A_386 = tpu.memref_slice %arg6[%dma_wait3A_378, %dma_wait3A_385] : memref<4x64xi32, #tpu.memory_space<vmem>> -> memref<1x32xi32, #tpu.memory_space<vmem>>
    %dma_wait3A_387 = tpu.memref_squeeze %dma_wait3A_386 : memref<1x32xi32, #tpu.memory_space<vmem>> -> memref<32xi32, #tpu.memory_space<vmem>>
    %dma_wait3A_388 = arith.constant 0 : i32
    %dma_wait3A_389 = arith.constant 0 : i32
    %dma_wait3A_390 = tpu.memref_slice %arg3[%dma_wait3A_388, %dma_wait3A_389] : memref<100000x128xf32, #tpu.memory_space<hbm>> -> memref<100000x128xf32, #tpu.memory_space<hbm>>
    %dma_wait3A_391 = tpu.memref_slice %arg9[%dma_wait3A_380] : memref<8x!tpu.dma_semaphore, #tpu.memory_space<semaphore_mem>> -> memref<1x!tpu.dma_semaphore, #tpu.memory_space<semaphore_mem>>
    %dma_wait3A_392 = tpu.memref_squeeze %dma_wait3A_391 : memref<1x!tpu.dma_semaphore, #tpu.memory_space<semaphore_mem>> -> memref<!tpu.dma_semaphore, #tpu.memory_space<semaphore_mem>>
    tpu.wait_indirect_dma semaphore(%dma_wait3A_392 : memref<!tpu.dma_semaphore, #tpu.memory_space<semaphore_mem>>) src(%dma_wait3A_390 : memref<100000x128xf32, #tpu.memory_space<hbm>>) dst(%dma_wait3A_384 : memref<32x128xf32, #tpu.memory_space<vmem>>)
    %dma_wait3A_393 = arith.constant 2 : i32
    %dma_wait3A_394 = arith.constant 2 : i32
    %dma_wait3A_395 = arith.constant 6 : i32
    %dma_wait3A_396 = arith.constant 32 : i32
    %dma_wait3A_397 = arith.constant 0 : i32
    %dma_wait3A_398 = tpu.memref_slice %arg7[%dma_wait3A_394, %dma_wait3A_396, %dma_wait3A_397] : memref<4x64x128xf32, #tpu.memory_space<vmem>> -> memref<1x32x128xf32, #tpu.memory_space<vmem>>
    %dma_wait3A_399 = tpu.memref_squeeze %dma_wait3A_398 : memref<1x32x128xf32, #tpu.memory_space<vmem>> -> memref<32x128xf32, #tpu.memory_space<vmem>>
    %dma_wait3A_400 = arith.constant 32 : i32
    %dma_wait3A_401 = tpu.memref_slice %arg6[%dma_wait3A_393, %dma_wait3A_400] : memref<4x64xi32, #tpu.memory_space<vmem>> -> memref<1x32xi32, #tpu.memory_space<vmem>>
    %dma_wait3A_402 = tpu.memref_squeeze %dma_wait3A_401 : memref<1x32xi32, #tpu.memory_space<vmem>> -> memref<32xi32, #tpu.memory_space<vmem>>
    %dma_wait3A_403 = arith.constant 0 : i32
    %dma_wait3A_404 = arith.constant 0 : i32
    %dma_wait3A_405 = tpu.memref_slice %arg3[%dma_wait3A_403, %dma_wait3A_404] : memref<100000x128xf32, #tpu.memory_space<hbm>> -> memref<100000x128xf32, #tpu.memory_space<hbm>>
    %dma_wait3A_406 = tpu.memref_slice %arg9[%dma_wait3A_395] : memref<8x!tpu.dma_semaphore, #tpu.memory_space<semaphore_mem>> -> memref<1x!tpu.dma_semaphore, #tpu.memory_space<semaphore_mem>>
    %dma_wait3A_407 = tpu.memref_squeeze %dma_wait3A_406 : memref<1x!tpu.dma_semaphore, #tpu.memory_space<semaphore_mem>> -> memref<!tpu.dma_semaphore, #tpu.memory_space<semaphore_mem>>
    tpu.wait_indirect_dma semaphore(%dma_wait3A_407 : memref<!tpu.dma_semaphore, #tpu.memory_space<semaphore_mem>>) src(%dma_wait3A_405 : memref<100000x128xf32, #tpu.memory_space<hbm>>) dst(%dma_wait3A_399 : memref<32x128xf32, #tpu.memory_space<vmem>>)
    %dma_wait3A_408 = arith.constant 3 : i32
    %dma_wait3A_409 = arith.constant 3 : i32
    %dma_wait3A_410 = arith.constant 7 : i32
    %dma_wait3A_411 = arith.constant 32 : i32
    %dma_wait3A_412 = arith.constant 0 : i32
    %dma_wait3A_413 = tpu.memref_slice %arg7[%dma_wait3A_409, %dma_wait3A_411, %dma_wait3A_412] : memref<4x64x128xf32, #tpu.memory_space<vmem>> -> memref<1x32x128xf32, #tpu.memory_space<vmem>>
    %dma_wait3A_414 = tpu.memref_squeeze %dma_wait3A_413 : memref<1x32x128xf32, #tpu.memory_space<vmem>> -> memref<32x128xf32, #tpu.memory_space<vmem>>
    %dma_wait3A_415 = arith.constant 32 : i32
    %dma_wait3A_416 = tpu.memref_slice %arg6[%dma_wait3A_408, %dma_wait3A_415] : memref<4x64xi32, #tpu.memory_space<vmem>> -> memref<1x32xi32, #tpu.memory_space<vmem>>
    %dma_wait3A_417 = tpu.memref_squeeze %dma_wait3A_416 : memref<1x32xi32, #tpu.memory_space<vmem>> -> memref<32xi32, #tpu.memory_space<vmem>>
    %dma_wait3A_418 = arith.constant 0 : i32
    %dma_wait3A_419 = arith.constant 0 : i32
    %dma_wait3A_420 = tpu.memref_slice %arg3[%dma_wait3A_418, %dma_wait3A_419] : memref<100000x128xf32, #tpu.memory_space<hbm>> -> memref<100000x128xf32, #tpu.memory_space<hbm>>
    %dma_wait3A_421 = tpu.memref_slice %arg9[%dma_wait3A_410] : memref<8x!tpu.dma_semaphore, #tpu.memory_space<semaphore_mem>> -> memref<1x!tpu.dma_semaphore, #tpu.memory_space<semaphore_mem>>
    %dma_wait3A_422 = tpu.memref_squeeze %dma_wait3A_421 : memref<1x!tpu.dma_semaphore, #tpu.memory_space<semaphore_mem>> -> memref<!tpu.dma_semaphore, #tpu.memory_space<semaphore_mem>>
    tpu.wait_indirect_dma semaphore(%dma_wait3A_422 : memref<!tpu.dma_semaphore, #tpu.memory_space<semaphore_mem>>) src(%dma_wait3A_420 : memref<100000x128xf32, #tpu.memory_space<hbm>>) dst(%dma_wait3A_414 : memref<32x128xf32, #tpu.memory_space<vmem>>)
    %scan3A_423 = arith.constant 0 : i32
    %scan3A_424 = arith.constant 0 : i32
    %scan3A_425 = arith.constant 32 : i32
    %scan3A_426 = arith.addi %scan3A_424, %scan3A_425 : i32
    %scan3A_427 = arith.constant 1 : i32
    %scan3A_428 = scf.for %scan3A_630 = %scan3A_424 to %scan3A_426 step %scan3A_427 iter_args(%scan3A_631 = %scan3A_423) -> (i32)  : i32 {
      %add3A_632 = arith.constant 32 : i32
      %add3A_633 = arith.addi %add3A_632, %scan3A_630 : i32
      %get3A = arith.index_cast %add3A_633 : i32 to index
      %get3A_634 = arith.constant 0 : index
      %get3A_635 = tpu.vector_load %arg8[%get3A, %get3A_634] {strides = array<i32>} : memref<64x128xf32, #tpu.memory_space<vmem>>, vector<1x16xf32>,
      %get3A_636 = vector.shape_cast %get3A_635 : vector<1x16xf32> to vector<16xf32>
      %get3A_637 = arith.constant 0 : i32
      %get3A_638 = arith.index_cast %get3A_637 : i32 to index
      %get3A_639 = arith.index_cast %add3A_633 : i32 to index
      %get3A_640 = arith.constant 0 : index
      %get3A_641 = tpu.vector_load %arg7[%get3A_638, %get3A_639, %get3A_640] {strides = array<i32>} : memref<4x64x128xf32, #tpu.memory_space<vmem>>, vector<1x1x16xf32>,
      %get3A_642 = vector.shape_cast %get3A_641 : vector<1x1x16xf32> to vector<16xf32>
      %add3A_643 = arith.addf %get3A_642, %get3A_636 : vector<16xf32>
      %swap3A = arith.constant 0 : i32
      %swap3A_644 = arith.index_cast %swap3A : i32 to index
      %swap3A_645 = arith.index_cast %add3A_633 : i32 to index
      %swap3A_646 = arith.constant 0 : index
      %swap3A_647 = tpu.vector_load %arg7[%swap3A_644, %swap3A_645, %swap3A_646] {strides = array<i32>} : memref<4x64x128xf32, #tpu.memory_space<vmem>>, vector<1x1x16xf32>,
      %swap3A_648 = vector.shape_cast %swap3A_647 : vector<1x1x16xf32> to vector<16xf32>
      %swap3A_649 = vector.shape_cast %add3A_643 : vector<16xf32> to vector<1x1x16xf32>
      tpu.vector_store %arg7[%swap3A_644, %swap3A_645, %swap3A_646], %swap3A_649 {strides = array<i32>} : memref<4x64x128xf32, #tpu.memory_space<vmem>>, vector<1x1x16xf32>,
      %get3A_650 = arith.constant 1 : i32
      %get3A_651 = arith.index_cast %get3A_650 : i32 to index
      %get3A_652 = arith.index_cast %add3A_633 : i32 to index
      %get3A_653 = arith.constant 0 : index
      %get3A_654 = tpu.vector_load %arg7[%get3A_651, %get3A_652, %get3A_653] {strides = array<i32>} : memref<4x64x128xf32, #tpu.memory_space<vmem>>, vector<1x1x16xf32>,
      %get3A_655 = vector.shape_cast %get3A_654 : vector<1x1x16xf32> to vector<16xf32>
      %add3A_656 = arith.addf %get3A_655, %get3A_636 : vector<16xf32>
      %swap3A_657 = arith.constant 1 : i32
      %swap3A_658 = arith.index_cast %swap3A_657 : i32 to index
      %swap3A_659 = arith.index_cast %add3A_633 : i32 to index
      %swap3A_660 = arith.constant 0 : index
      %swap3A_661 = tpu.vector_load %arg7[%swap3A_658, %swap3A_659, %swap3A_660] {strides = array<i32>} : memref<4x64x128xf32, #tpu.memory_space<vmem>>, vector<1x1x16xf32>,
      %swap3A_662 = vector.shape_cast %swap3A_661 : vector<1x1x16xf32> to vector<16xf32>
      %swap3A_663 = vector.shape_cast %add3A_656 : vector<16xf32> to vector<1x1x16xf32>
      tpu.vector_store %arg7[%swap3A_658, %swap3A_659, %swap3A_660], %swap3A_663 {strides = array<i32>} : memref<4x64x128xf32, #tpu.memory_space<vmem>>, vector<1x1x16xf32>,
      %get3A_664 = arith.constant 2 : i32
      %get3A_665 = arith.index_cast %get3A_664 : i32 to index
      %get3A_666 = arith.index_cast %add3A_633 : i32 to index
      %get3A_667 = arith.constant 0 : index
      %get3A_668 = tpu.vector_load %arg7[%get3A_665, %get3A_666, %get3A_667] {strides = array<i32>} : memref<4x64x128xf32, #tpu.memory_space<vmem>>, vector<1x1x16xf32>,
      %get3A_669 = vector.shape_cast %get3A_668 : vector<1x1x16xf32> to vector<16xf32>
      %add3A_670 = arith.addf %get3A_669, %get3A_636 : vector<16xf32>
      %swap3A_671 = arith.constant 2 : i32
      %swap3A_672 = arith.index_cast %swap3A_671 : i32 to index
      %swap3A_673 = arith.index_cast %add3A_633 : i32 to index
      %swap3A_674 = arith.constant 0 : index
      %swap3A_675 = tpu.vector_load %arg7[%swap3A_672, %swap3A_673, %swap3A_674] {strides = array<i32>} : memref<4x64x128xf32, #tpu.memory_space<vmem>>, vector<1x1x16xf32>,
      %swap3A_676 = vector.shape_cast %swap3A_675 : vector<1x1x16xf32> to vector<16xf32>
      %swap3A_677 = vector.shape_cast %add3A_670 : vector<16xf32> to vector<1x1x16xf32>
      tpu.vector_store %arg7[%swap3A_672, %swap3A_673, %swap3A_674], %swap3A_677 {strides = array<i32>} : memref<4x64x128xf32, #tpu.memory_space<vmem>>, vector<1x1x16xf32>,
      %get3A_678 = arith.constant 3 : i32
      %get3A_679 = arith.index_cast %get3A_678 : i32 to index
      %get3A_680 = arith.index_cast %add3A_633 : i32 to index
      %get3A_681 = arith.constant 0 : index
      %get3A_682 = tpu.vector_load %arg7[%get3A_679, %get3A_680, %get3A_681] {strides = array<i32>} : memref<4x64x128xf32, #tpu.memory_space<vmem>>, vector<1x1x16xf32>,
      %get3A_683 = vector.shape_cast %get3A_682 : vector<1x1x16xf32> to vector<16xf32>
      %add3A_684 = arith.addf %get3A_683, %get3A_636 : vector<16xf32>
      %swap3A_685 = arith.constant 3 : i32
      %swap3A_686 = arith.index_cast %swap3A_685 : i32 to index
      %swap3A_687 = arith.index_cast %add3A_633 : i32 to index
      %swap3A_688 = arith.constant 0 : index
      %swap3A_689 = tpu.vector_load %arg7[%swap3A_686, %swap3A_687, %swap3A_688] {strides = array<i32>} : memref<4x64x128xf32, #tpu.memory_space<vmem>>, vector<1x1x16xf32>,
      %swap3A_690 = vector.shape_cast %swap3A_689 : vector<1x1x16xf32> to vector<16xf32>
      %swap3A_691 = vector.shape_cast %add3A_684 : vector<16xf32> to vector<1x1x16xf32>
      tpu.vector_store %arg7[%swap3A_686, %swap3A_687, %swap3A_688], %swap3A_691 {strides = array<i32>} : memref<4x64x128xf32, #tpu.memory_space<vmem>>, vector<1x1x16xf32>,
      %get3A_692 = arith.index_cast %add3A_633 : i32 to index
      %get3A_693 = arith.constant 16 : index
      %get3A_694 = tpu.vector_load %arg8[%get3A_692, %get3A_693] {strides = array<i32>} : memref<64x128xf32, #tpu.memory_space<vmem>>, vector<1x16xf32>,
      %get3A_695 = vector.shape_cast %get3A_694 : vector<1x16xf32> to vector<16xf32>
      %get3A_696 = arith.constant 0 : i32
      %get3A_697 = arith.index_cast %get3A_696 : i32 to index
      %get3A_698 = arith.index_cast %add3A_633 : i32 to index
      %get3A_699 = arith.constant 16 : index
      %get3A_700 = tpu.vector_load %arg7[%get3A_697, %get3A_698, %get3A_699] {strides = array<i32>} : memref<4x64x128xf32, #tpu.memory_space<vmem>>, vector<1x1x16xf32>,
      %get3A_701 = vector.shape_cast %get3A_700 : vector<1x1x16xf32> to vector<16xf32>
      %add3A_702 = arith.addf %get3A_701, %get3A_695 : vector<16xf32>
      %swap3A_703 = arith.constant 0 : i32
      %swap3A_704 = arith.index_cast %swap3A_703 : i32 to index
      %swap3A_705 = arith.index_cast %add3A_633 : i32 to index
      %swap3A_706 = arith.constant 16 : index
      %swap3A_707 = tpu.vector_load %arg7[%swap3A_704, %swap3A_705, %swap3A_706] {strides = array<i32>} : memref<4x64x128xf32, #tpu.memory_space<vmem>>, vector<1x1x16xf32>,
      %swap3A_708 = vector.shape_cast %swap3A_707 : vector<1x1x16xf32> to vector<16xf32>
      %swap3A_709 = vector.shape_cast %add3A_702 : vector<16xf32> to vector<1x1x16xf32>
      tpu.vector_store %arg7[%swap3A_704, %swap3A_705, %swap3A_706], %swap3A_709 {strides = array<i32>} : memref<4x64x128xf32, #tpu.memory_space<vmem>>, vector<1x1x16xf32>,
      %get3A_710 = arith.constant 1 : i32
      %get3A_711 = arith.index_cast %get3A_710 : i32 to index
      %get3A_712 = arith.index_cast %add3A_633 : i32 to index
      %get3A_713 = arith.constant 16 : index
      %get3A_714 = tpu.vector_load %arg7[%get3A_711, %get3A_712, %get3A_713] {strides = array<i32>} : memref<4x64x128xf32, #tpu.memory_space<vmem>>, vector<1x1x16xf32>,
      %get3A_715 = vector.shape_cast %get3A_714 : vector<1x1x16xf32> to vector<16xf32>
      %add3A_716 = arith.addf %get3A_715, %get3A_695 : vector<16xf32>
      %swap3A_717 = arith.constant 1 : i32
      %swap3A_718 = arith.index_cast %swap3A_717 : i32 to index
      %swap3A_719 = arith.index_cast %add3A_633 : i32 to index
      %swap3A_720 = arith.constant 16 : index
      %swap3A_721 = tpu.vector_load %arg7[%swap3A_718, %swap3A_719, %swap3A_720] {strides = array<i32>} : memref<4x64x128xf32, #tpu.memory_space<vmem>>, vector<1x1x16xf32>,
      %swap3A_722 = vector.shape_cast %swap3A_721 : vector<1x1x16xf32> to vector<16xf32>
      %swap3A_723 = vector.shape_cast %add3A_716 : vector<16xf32> to vector<1x1x16xf32>
      tpu.vector_store %arg7[%swap3A_718, %swap3A_719, %swap3A_720], %swap3A_723 {strides = array<i32>} : memref<4x64x128xf32, #tpu.memory_space<vmem>>, vector<1x1x16xf32>,
      %get3A_724 = arith.constant 2 : i32
      %get3A_725 = arith.index_cast %get3A_724 : i32 to index
      %get3A_726 = arith.index_cast %add3A_633 : i32 to index
      %get3A_727 = arith.constant 16 : index
      %get3A_728 = tpu.vector_load %arg7[%get3A_725, %get3A_726, %get3A_727] {strides = array<i32>} : memref<4x64x128xf32, #tpu.memory_space<vmem>>, vector<1x1x16xf32>,
      %get3A_729 = vector.shape_cast %get3A_728 : vector<1x1x16xf32> to vector<16xf32>
      %add3A_730 = arith.addf %get3A_729, %get3A_695 : vector<16xf32>
      %swap3A_731 = arith.constant 2 : i32
      %swap3A_732 = arith.index_cast %swap3A_731 : i32 to index
      %swap3A_733 = arith.index_cast %add3A_633 : i32 to index
      %swap3A_734 = arith.constant 16 : index
      %swap3A_735 = tpu.vector_load %arg7[%swap3A_732, %swap3A_733, %swap3A_734] {strides = array<i32>} : memref<4x64x128xf32, #tpu.memory_space<vmem>>, vector<1x1x16xf32>,
      %swap3A_736 = vector.shape_cast %swap3A_735 : vector<1x1x16xf32> to vector<16xf32>
      %swap3A_737 = vector.shape_cast %add3A_730 : vector<16xf32> to vector<1x1x16xf32>
      tpu.vector_store %arg7[%swap3A_732, %swap3A_733, %swap3A_734], %swap3A_737 {strides = array<i32>} : memref<4x64x128xf32, #tpu.memory_space<vmem>>, vector<1x1x16xf32>,
      %get3A_738 = arith.constant 3 : i32
      %get3A_739 = arith.index_cast %get3A_738 : i32 to index
      %get3A_740 = arith.index_cast %add3A_633 : i32 to index
      %get3A_741 = arith.constant 16 : index
      %get3A_742 = tpu.vector_load %arg7[%get3A_739, %get3A_740, %get3A_741] {strides = array<i32>} : memref<4x64x128xf32, #tpu.memory_space<vmem>>, vector<1x1x16xf32>,
      %get3A_743 = vector.shape_cast %get3A_742 : vector<1x1x16xf32> to vector<16xf32>
      %add3A_744 = arith.addf %get3A_743, %get3A_695 : vector<16xf32>
      %swap3A_745 = arith.constant 3 : i32
      %swap3A_746 = arith.index_cast %swap3A_745 : i32 to index
      %swap3A_747 = arith.index_cast %add3A_633 : i32 to index
      %swap3A_748 = arith.constant 16 : index
      %swap3A_749 = tpu.vector_load %arg7[%swap3A_746, %swap3A_747, %swap3A_748] {strides = array<i32>} : memref<4x64x128xf32, #tpu.memory_space<vmem>>, vector<1x1x16xf32>,
      %swap3A_750 = vector.shape_cast %swap3A_749 : vector<1x1x16xf32> to vector<16xf32>
      %swap3A_751 = vector.shape_cast %add3A_744 : vector<16xf32> to vector<1x1x16xf32>
      tpu.vector_store %arg7[%swap3A_746, %swap3A_747, %swap3A_748], %swap3A_751 {strides = array<i32>} : memref<4x64x128xf32, #tpu.memory_space<vmem>>, vector<1x1x16xf32>,
      %get3A_752 = arith.index_cast %add3A_633 : i32 to index
      %get3A_753 = arith.constant 32 : index
      %get3A_754 = tpu.vector_load %arg8[%get3A_752, %get3A_753] {strides = array<i32>} : memref<64x128xf32, #tpu.memory_space<vmem>>, vector<1x16xf32>,
      %get3A_755 = vector.shape_cast %get3A_754 : vector<1x16xf32> to vector<16xf32>
      %get3A_756 = arith.constant 0 : i32
      %get3A_757 = arith.index_cast %get3A_756 : i32 to index
      %get3A_758 = arith.index_cast %add3A_633 : i32 to index
      %get3A_759 = arith.constant 32 : index
      %get3A_760 = tpu.vector_load %arg7[%get3A_757, %get3A_758, %get3A_759] {strides = array<i32>} : memref<4x64x128xf32, #tpu.memory_space<vmem>>, vector<1x1x16xf32>,
      %get3A_761 = vector.shape_cast %get3A_760 : vector<1x1x16xf32> to vector<16xf32>
      %add3A_762 = arith.addf %get3A_761, %get3A_755 : vector<16xf32>
      %swap3A_763 = arith.constant 0 : i32
      %swap3A_764 = arith.index_cast %swap3A_763 : i32 to index
      %swap3A_765 = arith.index_cast %add3A_633 : i32 to index
      %swap3A_766 = arith.constant 32 : index
      %swap3A_767 = tpu.vector_load %arg7[%swap3A_764, %swap3A_765, %swap3A_766] {strides = array<i32>} : memref<4x64x128xf32, #tpu.memory_space<vmem>>, vector<1x1x16xf32>,
      %swap3A_768 = vector.shape_cast %swap3A_767 : vector<1x1x16xf32> to vector<16xf32>
      %swap3A_769 = vector.shape_cast %add3A_762 : vector<16xf32> to vector<1x1x16xf32>
      tpu.vector_store %arg7[%swap3A_764, %swap3A_765, %swap3A_766], %swap3A_769 {strides = array<i32>} : memref<4x64x128xf32, #tpu.memory_space<vmem>>, vector<1x1x16xf32>,
      %get3A_770 = arith.constant 1 : i32
      %get3A_771 = arith.index_cast %get3A_770 : i32 to index
      %get3A_772 = arith.index_cast %add3A_633 : i32 to index
      %get3A_773 = arith.constant 32 : index
      %get3A_774 = tpu.vector_load %arg7[%get3A_771, %get3A_772, %get3A_773] {strides = array<i32>} : memref<4x64x128xf32, #tpu.memory_space<vmem>>, vector<1x1x16xf32>,
      %get3A_775 = vector.shape_cast %get3A_774 : vector<1x1x16xf32> to vector<16xf32>
      %add3A_776 = arith.addf %get3A_775, %get3A_755 : vector<16xf32>
      %swap3A_777 = arith.constant 1 : i32
      %swap3A_778 = arith.index_cast %swap3A_777 : i32 to index
      %swap3A_779 = arith.index_cast %add3A_633 : i32 to index
      %swap3A_780 = arith.constant 32 : index
      %swap3A_781 = tpu.vector_load %arg7[%swap3A_778, %swap3A_779, %swap3A_780] {strides = array<i32>} : memref<4x64x128xf32, #tpu.memory_space<vmem>>, vector<1x1x16xf32>,
      %swap3A_782 = vector.shape_cast %swap3A_781 : vector<1x1x16xf32> to vector<16xf32>
      %swap3A_783 = vector.shape_cast %add3A_776 : vector<16xf32> to vector<1x1x16xf32>
      tpu.vector_store %arg7[%swap3A_778, %swap3A_779, %swap3A_780], %swap3A_783 {strides = array<i32>} : memref<4x64x128xf32, #tpu.memory_space<vmem>>, vector<1x1x16xf32>,
      %get3A_784 = arith.constant 2 : i32
      %get3A_785 = arith.index_cast %get3A_784 : i32 to index
      %get3A_786 = arith.index_cast %add3A_633 : i32 to index
      %get3A_787 = arith.constant 32 : index
      %get3A_788 = tpu.vector_load %arg7[%get3A_785, %get3A_786, %get3A_787] {strides = array<i32>} : memref<4x64x128xf32, #tpu.memory_space<vmem>>, vector<1x1x16xf32>,
      %get3A_789 = vector.shape_cast %get3A_788 : vector<1x1x16xf32> to vector<16xf32>
      %add3A_790 = arith.addf %get3A_789, %get3A_755 : vector<16xf32>
      %swap3A_791 = arith.constant 2 : i32
      %swap3A_792 = arith.index_cast %swap3A_791 : i32 to index
      %swap3A_793 = arith.index_cast %add3A_633 : i32 to index
      %swap3A_794 = arith.constant 32 : index
      %swap3A_795 = tpu.vector_load %arg7[%swap3A_792, %swap3A_793, %swap3A_794] {strides = array<i32>} : memref<4x64x128xf32, #tpu.memory_space<vmem>>, vector<1x1x16xf32>,
      %swap3A_796 = vector.shape_cast %swap3A_795 : vector<1x1x16xf32> to vector<16xf32>
      %swap3A_797 = vector.shape_cast %add3A_790 : vector<16xf32> to vector<1x1x16xf32>
      tpu.vector_store %arg7[%swap3A_792, %swap3A_793, %swap3A_794], %swap3A_797 {strides = array<i32>} : memref<4x64x128xf32, #tpu.memory_space<vmem>>, vector<1x1x16xf32>,
      %get3A_798 = arith.constant 3 : i32
      %get3A_799 = arith.index_cast %get3A_798 : i32 to index
      %get3A_800 = arith.index_cast %add3A_633 : i32 to index
      %get3A_801 = arith.constant 32 : index
      %get3A_802 = tpu.vector_load %arg7[%get3A_799, %get3A_800, %get3A_801] {strides = array<i32>} : memref<4x64x128xf32, #tpu.memory_space<vmem>>, vector<1x1x16xf32>,
      %get3A_803 = vector.shape_cast %get3A_802 : vector<1x1x16xf32> to vector<16xf32>
      %add3A_804 = arith.addf %get3A_803, %get3A_755 : vector<16xf32>
      %swap3A_805 = arith.constant 3 : i32
      %swap3A_806 = arith.index_cast %swap3A_805 : i32 to index
      %swap3A_807 = arith.index_cast %add3A_633 : i32 to index
      %swap3A_808 = arith.constant 32 : index
      %swap3A_809 = tpu.vector_load %arg7[%swap3A_806, %swap3A_807, %swap3A_808] {strides = array<i32>} : memref<4x64x128xf32, #tpu.memory_space<vmem>>, vector<1x1x16xf32>,
      %swap3A_810 = vector.shape_cast %swap3A_809 : vector<1x1x16xf32> to vector<16xf32>
      %swap3A_811 = vector.shape_cast %add3A_804 : vector<16xf32> to vector<1x1x16xf32>
      tpu.vector_store %arg7[%swap3A_806, %swap3A_807, %swap3A_808], %swap3A_811 {strides = array<i32>} : memref<4x64x128xf32, #tpu.memory_space<vmem>>, vector<1x1x16xf32>,
      %get3A_812 = arith.index_cast %add3A_633 : i32 to index
      %get3A_813 = arith.constant 48 : index
      %get3A_814 = tpu.vector_load %arg8[%get3A_812, %get3A_813] {strides = array<i32>} : memref<64x128xf32, #tpu.memory_space<vmem>>, vector<1x16xf32>,
      %get3A_815 = vector.shape_cast %get3A_814 : vector<1x16xf32> to vector<16xf32>
      %get3A_816 = arith.constant 0 : i32
      %get3A_817 = arith.index_cast %get3A_816 : i32 to index
      %get3A_818 = arith.index_cast %add3A_633 : i32 to index
      %get3A_819 = arith.constant 48 : index
      %get3A_820 = tpu.vector_load %arg7[%get3A_817, %get3A_818, %get3A_819] {strides = array<i32>} : memref<4x64x128xf32, #tpu.memory_space<vmem>>, vector<1x1x16xf32>,
      %get3A_821 = vector.shape_cast %get3A_820 : vector<1x1x16xf32> to vector<16xf32>
      %add3A_822 = arith.addf %get3A_821, %get3A_815 : vector<16xf32>
      %swap3A_823 = arith.constant 0 : i32
      %swap3A_824 = arith.index_cast %swap3A_823 : i32 to index
      %swap3A_825 = arith.index_cast %add3A_633 : i32 to index
      %swap3A_826 = arith.constant 48 : index
      %swap3A_827 = tpu.vector_load %arg7[%swap3A_824, %swap3A_825, %swap3A_826] {strides = array<i32>} : memref<4x64x128xf32, #tpu.memory_space<vmem>>, vector<1x1x16xf32>,
      %swap3A_828 = vector.shape_cast %swap3A_827 : vector<1x1x16xf32> to vector<16xf32>
      %swap3A_829 = vector.shape_cast %add3A_822 : vector<16xf32> to vector<1x1x16xf32>
      tpu.vector_store %arg7[%swap3A_824, %swap3A_825, %swap3A_826], %swap3A_829 {strides = array<i32>} : memref<4x64x128xf32, #tpu.memory_space<vmem>>, vector<1x1x16xf32>,
      %get3A_830 = arith.constant 1 : i32
      %get3A_831 = arith.index_cast %get3A_830 : i32 to index
      %get3A_832 = arith.index_cast %add3A_633 : i32 to index
      %get3A_833 = arith.constant 48 : index
      %get3A_834 = tpu.vector_load %arg7[%get3A_831, %get3A_832, %get3A_833] {strides = array<i32>} : memref<4x64x128xf32, #tpu.memory_space<vmem>>, vector<1x1x16xf32>,
      %get3A_835 = vector.shape_cast %get3A_834 : vector<1x1x16xf32> to vector<16xf32>
      %add3A_836 = arith.addf %get3A_835, %get3A_815 : vector<16xf32>
      %swap3A_837 = arith.constant 1 : i32
      %swap3A_838 = arith.index_cast %swap3A_837 : i32 to index
      %swap3A_839 = arith.index_cast %add3A_633 : i32 to index
      %swap3A_840 = arith.constant 48 : index
      %swap3A_841 = tpu.vector_load %arg7[%swap3A_838, %swap3A_839, %swap3A_840] {strides = array<i32>} : memref<4x64x128xf32, #tpu.memory_space<vmem>>, vector<1x1x16xf32>,
      %swap3A_842 = vector.shape_cast %swap3A_841 : vector<1x1x16xf32> to vector<16xf32>
      %swap3A_843 = vector.shape_cast %add3A_836 : vector<16xf32> to vector<1x1x16xf32>
      tpu.vector_store %arg7[%swap3A_838, %swap3A_839, %swap3A_840], %swap3A_843 {strides = array<i32>} : memref<4x64x128xf32, #tpu.memory_space<vmem>>, vector<1x1x16xf32>,
      %get3A_844 = arith.constant 2 : i32
      %get3A_845 = arith.index_cast %get3A_844 : i32 to index
      %get3A_846 = arith.index_cast %add3A_633 : i32 to index
      %get3A_847 = arith.constant 48 : index
      %get3A_848 = tpu.vector_load %arg7[%get3A_845, %get3A_846, %get3A_847] {strides = array<i32>} : memref<4x64x128xf32, #tpu.memory_space<vmem>>, vector<1x1x16xf32>,
      %get3A_849 = vector.shape_cast %get3A_848 : vector<1x1x16xf32> to vector<16xf32>
      %add3A_850 = arith.addf %get3A_849, %get3A_815 : vector<16xf32>
      %swap3A_851 = arith.constant 2 : i32
      %swap3A_852 = arith.index_cast %swap3A_851 : i32 to index
      %swap3A_853 = arith.index_cast %add3A_633 : i32 to index
      %swap3A_854 = arith.constant 48 : index
      %swap3A_855 = tpu.vector_load %arg7[%swap3A_852, %swap3A_853, %swap3A_854] {strides = array<i32>} : memref<4x64x128xf32, #tpu.memory_space<vmem>>, vector<1x1x16xf32>,
      %swap3A_856 = vector.shape_cast %swap3A_855 : vector<1x1x16xf32> to vector<16xf32>
      %swap3A_857 = vector.shape_cast %add3A_850 : vector<16xf32> to vector<1x1x16xf32>
      tpu.vector_store %arg7[%swap3A_852, %swap3A_853, %swap3A_854], %swap3A_857 {strides = array<i32>} : memref<4x64x128xf32, #tpu.memory_space<vmem>>, vector<1x1x16xf32>,
      %get3A_858 = arith.constant 3 : i32
      %get3A_859 = arith.index_cast %get3A_858 : i32 to index
      %get3A_860 = arith.index_cast %add3A_633 : i32 to index
      %get3A_861 = arith.constant 48 : index
      %get3A_862 = tpu.vector_load %arg7[%get3A_859, %get3A_860, %get3A_861] {strides = array<i32>} : memref<4x64x128xf32, #tpu.memory_space<vmem>>, vector<1x1x16xf32>,
      %get3A_863 = vector.shape_cast %get3A_862 : vector<1x1x16xf32> to vector<16xf32>
      %add3A_864 = arith.addf %get3A_863, %get3A_815 : vector<16xf32>
      %swap3A_865 = arith.constant 3 : i32
      %swap3A_866 = arith.index_cast %swap3A_865 : i32 to index
      %swap3A_867 = arith.index_cast %add3A_633 : i32 to index
      %swap3A_868 = arith.constant 48 : index
      %swap3A_869 = tpu.vector_load %arg7[%swap3A_866, %swap3A_867, %swap3A_868] {strides = array<i32>} : memref<4x64x128xf32, #tpu.memory_space<vmem>>, vector<1x1x16xf32>,
      %swap3A_870 = vector.shape_cast %swap3A_869 : vector<1x1x16xf32> to vector<16xf32>
      %swap3A_871 = vector.shape_cast %add3A_864 : vector<16xf32> to vector<1x1x16xf32>
      tpu.vector_store %arg7[%swap3A_866, %swap3A_867, %swap3A_868], %swap3A_871 {strides = array<i32>} : memref<4x64x128xf32, #tpu.memory_space<vmem>>, vector<1x1x16xf32>,
      %get3A_872 = arith.index_cast %add3A_633 : i32 to index
      %get3A_873 = arith.constant 64 : index
      %get3A_874 = tpu.vector_load %arg8[%get3A_872, %get3A_873] {strides = array<i32>} : memref<64x128xf32, #tpu.memory_space<vmem>>, vector<1x16xf32>,
      %get3A_875 = vector.shape_cast %get3A_874 : vector<1x16xf32> to vector<16xf32>
      %get3A_876 = arith.constant 0 : i32
      %get3A_877 = arith.index_cast %get3A_876 : i32 to index
      %get3A_878 = arith.index_cast %add3A_633 : i32 to index
      %get3A_879 = arith.constant 64 : index
      %get3A_880 = tpu.vector_load %arg7[%get3A_877, %get3A_878, %get3A_879] {strides = array<i32>} : memref<4x64x128xf32, #tpu.memory_space<vmem>>, vector<1x1x16xf32>,
      %get3A_881 = vector.shape_cast %get3A_880 : vector<1x1x16xf32> to vector<16xf32>
      %add3A_882 = arith.addf %get3A_881, %get3A_875 : vector<16xf32>
      %swap3A_883 = arith.constant 0 : i32
      %swap3A_884 = arith.index_cast %swap3A_883 : i32 to index
      %swap3A_885 = arith.index_cast %add3A_633 : i32 to index
      %swap3A_886 = arith.constant 64 : index
      %swap3A_887 = tpu.vector_load %arg7[%swap3A_884, %swap3A_885, %swap3A_886] {strides = array<i32>} : memref<4x64x128xf32, #tpu.memory_space<vmem>>, vector<1x1x16xf32>,
      %swap3A_888 = vector.shape_cast %swap3A_887 : vector<1x1x16xf32> to vector<16xf32>
      %swap3A_889 = vector.shape_cast %add3A_882 : vector<16xf32> to vector<1x1x16xf32>
      tpu.vector_store %arg7[%swap3A_884, %swap3A_885, %swap3A_886], %swap3A_889 {strides = array<i32>} : memref<4x64x128xf32, #tpu.memory_space<vmem>>, vector<1x1x16xf32>,
      %get3A_890 = arith.constant 1 : i32
      %get3A_891 = arith.index_cast %get3A_890 : i32 to index
      %get3A_892 = arith.index_cast %add3A_633 : i32 to index
      %get3A_893 = arith.constant 64 : index
      %get3A_894 = tpu.vector_load %arg7[%get3A_891, %get3A_892, %get3A_893] {strides = array<i32>} : memref<4x64x128xf32, #tpu.memory_space<vmem>>, vector<1x1x16xf32>,
      %get3A_895 = vector.shape_cast %get3A_894 : vector<1x1x16xf32> to vector<16xf32>
      %add3A_896 = arith.addf %get3A_895, %get3A_875 : vector<16xf32>
      %swap3A_897 = arith.constant 1 : i32
      %swap3A_898 = arith.index_cast %swap3A_897 : i32 to index
      %swap3A_899 = arith.index_cast %add3A_633 : i32 to index
      %swap3A_900 = arith.constant 64 : index
      %swap3A_901 = tpu.vector_load %arg7[%swap3A_898, %swap3A_899, %swap3A_900] {strides = array<i32>} : memref<4x64x128xf32, #tpu.memory_space<vmem>>, vector<1x1x16xf32>,
      %swap3A_902 = vector.shape_cast %swap3A_901 : vector<1x1x16xf32> to vector<16xf32>
      %swap3A_903 = vector.shape_cast %add3A_896 : vector<16xf32> to vector<1x1x16xf32>
      tpu.vector_store %arg7[%swap3A_898, %swap3A_899, %swap3A_900], %swap3A_903 {strides = array<i32>} : memref<4x64x128xf32, #tpu.memory_space<vmem>>, vector<1x1x16xf32>,
      %get3A_904 = arith.constant 2 : i32
      %get3A_905 = arith.index_cast %get3A_904 : i32 to index
      %get3A_906 = arith.index_cast %add3A_633 : i32 to index
      %get3A_907 = arith.constant 64 : index
      %get3A_908 = tpu.vector_load %arg7[%get3A_905, %get3A_906, %get3A_907] {strides = array<i32>} : memref<4x64x128xf32, #tpu.memory_space<vmem>>, vector<1x1x16xf32>,
      %get3A_909 = vector.shape_cast %get3A_908 : vector<1x1x16xf32> to vector<16xf32>
      %add3A_910 = arith.addf %get3A_909, %get3A_875 : vector<16xf32>
      %swap3A_911 = arith.constant 2 : i32
      %swap3A_912 = arith.index_cast %swap3A_911 : i32 to index
      %swap3A_913 = arith.index_cast %add3A_633 : i32 to index
      %swap3A_914 = arith.constant 64 : index
      %swap3A_915 = tpu.vector_load %arg7[%swap3A_912, %swap3A_913, %swap3A_914] {strides = array<i32>} : memref<4x64x128xf32, #tpu.memory_space<vmem>>, vector<1x1x16xf32>,
      %swap3A_916 = vector.shape_cast %swap3A_915 : vector<1x1x16xf32> to vector<16xf32>
      %swap3A_917 = vector.shape_cast %add3A_910 : vector<16xf32> to vector<1x1x16xf32>
      tpu.vector_store %arg7[%swap3A_912, %swap3A_913, %swap3A_914], %swap3A_917 {strides = array<i32>} : memref<4x64x128xf32, #tpu.memory_space<vmem>>, vector<1x1x16xf32>,
      %get3A_918 = arith.constant 3 : i32
      %get3A_919 = arith.index_cast %get3A_918 : i32 to index
      %get3A_920 = arith.index_cast %add3A_633 : i32 to index
      %get3A_921 = arith.constant 64 : index
      %get3A_922 = tpu.vector_load %arg7[%get3A_919, %get3A_920, %get3A_921] {strides = array<i32>} : memref<4x64x128xf32, #tpu.memory_space<vmem>>, vector<1x1x16xf32>,
      %get3A_923 = vector.shape_cast %get3A_922 : vector<1x1x16xf32> to vector<16xf32>
      %add3A_924 = arith.addf %get3A_923, %get3A_875 : vector<16xf32>
      %swap3A_925 = arith.constant 3 : i32
      %swap3A_926 = arith.index_cast %swap3A_925 : i32 to index
      %swap3A_927 = arith.index_cast %add3A_633 : i32 to index
      %swap3A_928 = arith.constant 64 : index
      %swap3A_929 = tpu.vector_load %arg7[%swap3A_926, %swap3A_927, %swap3A_928] {strides = array<i32>} : memref<4x64x128xf32, #tpu.memory_space<vmem>>, vector<1x1x16xf32>,
      %swap3A_930 = vector.shape_cast %swap3A_929 : vector<1x1x16xf32> to vector<16xf32>
      %swap3A_931 = vector.shape_cast %add3A_924 : vector<16xf32> to vector<1x1x16xf32>
      tpu.vector_store %arg7[%swap3A_926, %swap3A_927, %swap3A_928], %swap3A_931 {strides = array<i32>} : memref<4x64x128xf32, #tpu.memory_space<vmem>>, vector<1x1x16xf32>,
      %get3A_932 = arith.index_cast %add3A_633 : i32 to index
      %get3A_933 = arith.constant 80 : index
      %get3A_934 = tpu.vector_load %arg8[%get3A_932, %get3A_933] {strides = array<i32>} : memref<64x128xf32, #tpu.memory_space<vmem>>, vector<1x16xf32>,
      %get3A_935 = vector.shape_cast %get3A_934 : vector<1x16xf32> to vector<16xf32>
      %get3A_936 = arith.constant 0 : i32
      %get3A_937 = arith.index_cast %get3A_936 : i32 to index
      %get3A_938 = arith.index_cast %add3A_633 : i32 to index
      %get3A_939 = arith.constant 80 : index
      %get3A_940 = tpu.vector_load %arg7[%get3A_937, %get3A_938, %get3A_939] {strides = array<i32>} : memref<4x64x128xf32, #tpu.memory_space<vmem>>, vector<1x1x16xf32>,
      %get3A_941 = vector.shape_cast %get3A_940 : vector<1x1x16xf32> to vector<16xf32>
      %add3A_942 = arith.addf %get3A_941, %get3A_935 : vector<16xf32>
      %swap3A_943 = arith.constant 0 : i32
      %swap3A_944 = arith.index_cast %swap3A_943 : i32 to index
      %swap3A_945 = arith.index_cast %add3A_633 : i32 to index
      %swap3A_946 = arith.constant 80 : index
      %swap3A_947 = tpu.vector_load %arg7[%swap3A_944, %swap3A_945, %swap3A_946] {strides = array<i32>} : memref<4x64x128xf32, #tpu.memory_space<vmem>>, vector<1x1x16xf32>,
      %swap3A_948 = vector.shape_cast %swap3A_947 : vector<1x1x16xf32> to vector<16xf32>
      %swap3A_949 = vector.shape_cast %add3A_942 : vector<16xf32> to vector<1x1x16xf32>
      tpu.vector_store %arg7[%swap3A_944, %swap3A_945, %swap3A_946], %swap3A_949 {strides = array<i32>} : memref<4x64x128xf32, #tpu.memory_space<vmem>>, vector<1x1x16xf32>,
      %get3A_950 = arith.constant 1 : i32
      %get3A_951 = arith.index_cast %get3A_950 : i32 to index
      %get3A_952 = arith.index_cast %add3A_633 : i32 to index
      %get3A_953 = arith.constant 80 : index
      %get3A_954 = tpu.vector_load %arg7[%get3A_951, %get3A_952, %get3A_953] {strides = array<i32>} : memref<4x64x128xf32, #tpu.memory_space<vmem>>, vector<1x1x16xf32>,
      %get3A_955 = vector.shape_cast %get3A_954 : vector<1x1x16xf32> to vector<16xf32>
      %add3A_956 = arith.addf %get3A_955, %get3A_935 : vector<16xf32>
      %swap3A_957 = arith.constant 1 : i32
      %swap3A_958 = arith.index_cast %swap3A_957 : i32 to index
      %swap3A_959 = arith.index_cast %add3A_633 : i32 to index
      %swap3A_960 = arith.constant 80 : index
      %swap3A_961 = tpu.vector_load %arg7[%swap3A_958, %swap3A_959, %swap3A_960] {strides = array<i32>} : memref<4x64x128xf32, #tpu.memory_space<vmem>>, vector<1x1x16xf32>,
      %swap3A_962 = vector.shape_cast %swap3A_961 : vector<1x1x16xf32> to vector<16xf32>
      %swap3A_963 = vector.shape_cast %add3A_956 : vector<16xf32> to vector<1x1x16xf32>
      tpu.vector_store %arg7[%swap3A_958, %swap3A_959, %swap3A_960], %swap3A_963 {strides = array<i32>} : memref<4x64x128xf32, #tpu.memory_space<vmem>>, vector<1x1x16xf32>,
      %get3A_964 = arith.constant 2 : i32
      %get3A_965 = arith.index_cast %get3A_964 : i32 to index
      %get3A_966 = arith.index_cast %add3A_633 : i32 to index
      %get3A_967 = arith.constant 80 : index
      %get3A_968 = tpu.vector_load %arg7[%get3A_965, %get3A_966, %get3A_967] {strides = array<i32>} : memref<4x64x128xf32, #tpu.memory_space<vmem>>, vector<1x1x16xf32>,
      %get3A_969 = vector.shape_cast %get3A_968 : vector<1x1x16xf32> to vector<16xf32>
      %add3A_970 = arith.addf %get3A_969, %get3A_935 : vector<16xf32>
      %swap3A_971 = arith.constant 2 : i32
      %swap3A_972 = arith.index_cast %swap3A_971 : i32 to index
      %swap3A_973 = arith.index_cast %add3A_633 : i32 to index
      %swap3A_974 = arith.constant 80 : index
      %swap3A_975 = tpu.vector_load %arg7[%swap3A_972, %swap3A_973, %swap3A_974] {strides = array<i32>} : memref<4x64x128xf32, #tpu.memory_space<vmem>>, vector<1x1x16xf32>,
      %swap3A_976 = vector.shape_cast %swap3A_975 : vector<1x1x16xf32> to vector<16xf32>
      %swap3A_977 = vector.shape_cast %add3A_970 : vector<16xf32> to vector<1x1x16xf32>
      tpu.vector_store %arg7[%swap3A_972, %swap3A_973, %swap3A_974], %swap3A_977 {strides = array<i32>} : memref<4x64x128xf32, #tpu.memory_space<vmem>>, vector<1x1x16xf32>,
      %get3A_978 = arith.constant 3 : i32
      %get3A_979 = arith.index_cast %get3A_978 : i32 to index
      %get3A_980 = arith.index_cast %add3A_633 : i32 to index
      %get3A_981 = arith.constant 80 : index
      %get3A_982 = tpu.vector_load %arg7[%get3A_979, %get3A_980, %get3A_981] {strides = array<i32>} : memref<4x64x128xf32, #tpu.memory_space<vmem>>, vector<1x1x16xf32>,
      %get3A_983 = vector.shape_cast %get3A_982 : vector<1x1x16xf32> to vector<16xf32>
      %add3A_984 = arith.addf %get3A_983, %get3A_935 : vector<16xf32>
      %swap3A_985 = arith.constant 3 : i32
      %swap3A_986 = arith.index_cast %swap3A_985 : i32 to index
      %swap3A_987 = arith.index_cast %add3A_633 : i32 to index
      %swap3A_988 = arith.constant 80 : index
      %swap3A_989 = tpu.vector_load %arg7[%swap3A_986, %swap3A_987, %swap3A_988] {strides = array<i32>} : memref<4x64x128xf32, #tpu.memory_space<vmem>>, vector<1x1x16xf32>,
      %swap3A_990 = vector.shape_cast %swap3A_989 : vector<1x1x16xf32> to vector<16xf32>
      %swap3A_991 = vector.shape_cast %add3A_984 : vector<16xf32> to vector<1x1x16xf32>
      tpu.vector_store %arg7[%swap3A_986, %swap3A_987, %swap3A_988], %swap3A_991 {strides = array<i32>} : memref<4x64x128xf32, #tpu.memory_space<vmem>>, vector<1x1x16xf32>,
      %get3A_992 = arith.index_cast %add3A_633 : i32 to index
      %get3A_993 = arith.constant 96 : index
      %get3A_994 = tpu.vector_load %arg8[%get3A_992, %get3A_993] {strides = array<i32>} : memref<64x128xf32, #tpu.memory_space<vmem>>, vector<1x16xf32>,
      %get3A_995 = vector.shape_cast %get3A_994 : vector<1x16xf32> to vector<16xf32>
      %get3A_996 = arith.constant 0 : i32
      %get3A_997 = arith.index_cast %get3A_996 : i32 to index
      %get3A_998 = arith.index_cast %add3A_633 : i32 to index
      %get3A_999 = arith.constant 96 : index
      %get3A_1000 = tpu.vector_load %arg7[%get3A_997, %get3A_998, %get3A_999] {strides = array<i32>} : memref<4x64x128xf32, #tpu.memory_space<vmem>>, vector<1x1x16xf32>,
      %get3A_1001 = vector.shape_cast %get3A_1000 : vector<1x1x16xf32> to vector<16xf32>
      %add3A_1002 = arith.addf %get3A_1001, %get3A_995 : vector<16xf32>
      %swap3A_1003 = arith.constant 0 : i32
      %swap3A_1004 = arith.index_cast %swap3A_1003 : i32 to index
      %swap3A_1005 = arith.index_cast %add3A_633 : i32 to index
      %swap3A_1006 = arith.constant 96 : index
      %swap3A_1007 = tpu.vector_load %arg7[%swap3A_1004, %swap3A_1005, %swap3A_1006] {strides = array<i32>} : memref<4x64x128xf32, #tpu.memory_space<vmem>>, vector<1x1x16xf32>,
      %swap3A_1008 = vector.shape_cast %swap3A_1007 : vector<1x1x16xf32> to vector<16xf32>
      %swap3A_1009 = vector.shape_cast %add3A_1002 : vector<16xf32> to vector<1x1x16xf32>
      tpu.vector_store %arg7[%swap3A_1004, %swap3A_1005, %swap3A_1006], %swap3A_1009 {strides = array<i32>} : memref<4x64x128xf32, #tpu.memory_space<vmem>>, vector<1x1x16xf32>,
      %get3A_1010 = arith.constant 1 : i32
      %get3A_1011 = arith.index_cast %get3A_1010 : i32 to index
      %get3A_1012 = arith.index_cast %add3A_633 : i32 to index
      %get3A_1013 = arith.constant 96 : index
      %get3A_1014 = tpu.vector_load %arg7[%get3A_1011, %get3A_1012, %get3A_1013] {strides = array<i32>} : memref<4x64x128xf32, #tpu.memory_space<vmem>>, vector<1x1x16xf32>,
      %get3A_1015 = vector.shape_cast %get3A_1014 : vector<1x1x16xf32> to vector<16xf32>
      %add3A_1016 = arith.addf %get3A_1015, %get3A_995 : vector<16xf32>
      %swap3A_1017 = arith.constant 1 : i32
      %swap3A_1018 = arith.index_cast %swap3A_1017 : i32 to index
      %swap3A_1019 = arith.index_cast %add3A_633 : i32 to index
      %swap3A_1020 = arith.constant 96 : index
      %swap3A_1021 = tpu.vector_load %arg7[%swap3A_1018, %swap3A_1019, %swap3A_1020] {strides = array<i32>} : memref<4x64x128xf32, #tpu.memory_space<vmem>>, vector<1x1x16xf32>,
      %swap3A_1022 = vector.shape_cast %swap3A_1021 : vector<1x1x16xf32> to vector<16xf32>
      %swap3A_1023 = vector.shape_cast %add3A_1016 : vector<16xf32> to vector<1x1x16xf32>
      tpu.vector_store %arg7[%swap3A_1018, %swap3A_1019, %swap3A_1020], %swap3A_1023 {strides = array<i32>} : memref<4x64x128xf32, #tpu.memory_space<vmem>>, vector<1x1x16xf32>,
      %get3A_1024 = arith.constant 2 : i32
      %get3A_1025 = arith.index_cast %get3A_1024 : i32 to index
      %get3A_1026 = arith.index_cast %add3A_633 : i32 to index
      %get3A_1027 = arith.constant 96 : index
      %get3A_1028 = tpu.vector_load %arg7[%get3A_1025, %get3A_1026, %get3A_1027] {strides = array<i32>} : memref<4x64x128xf32, #tpu.memory_space<vmem>>, vector<1x1x16xf32>,
      %get3A_1029 = vector.shape_cast %get3A_1028 : vector<1x1x16xf32> to vector<16xf32>
      %add3A_1030 = arith.addf %get3A_1029, %get3A_995 : vector<16xf32>
      %swap3A_1031 = arith.constant 2 : i32
      %swap3A_1032 = arith.index_cast %swap3A_1031 : i32 to index
      %swap3A_1033 = arith.index_cast %add3A_633 : i32 to index
      %swap3A_1034 = arith.constant 96 : index
      %swap3A_1035 = tpu.vector_load %arg7[%swap3A_1032, %swap3A_1033, %swap3A_1034] {strides = array<i32>} : memref<4x64x128xf32, #tpu.memory_space<vmem>>, vector<1x1x16xf32>,
      %swap3A_1036 = vector.shape_cast %swap3A_1035 : vector<1x1x16xf32> to vector<16xf32>
      %swap3A_1037 = vector.shape_cast %add3A_1030 : vector<16xf32> to vector<1x1x16xf32>
      tpu.vector_store %arg7[%swap3A_1032, %swap3A_1033, %swap3A_1034], %swap3A_1037 {strides = array<i32>} : memref<4x64x128xf32, #tpu.memory_space<vmem>>, vector<1x1x16xf32>,
      %get3A_1038 = arith.constant 3 : i32
      %get3A_1039 = arith.index_cast %get3A_1038 : i32 to index
      %get3A_1040 = arith.index_cast %add3A_633 : i32 to index
      %get3A_1041 = arith.constant 96 : index
      %get3A_1042 = tpu.vector_load %arg7[%get3A_1039, %get3A_1040, %get3A_1041] {strides = array<i32>} : memref<4x64x128xf32, #tpu.memory_space<vmem>>, vector<1x1x16xf32>,
      %get3A_1043 = vector.shape_cast %get3A_1042 : vector<1x1x16xf32> to vector<16xf32>
      %add3A_1044 = arith.addf %get3A_1043, %get3A_995 : vector<16xf32>
      %swap3A_1045 = arith.constant 3 : i32
      %swap3A_1046 = arith.index_cast %swap3A_1045 : i32 to index
      %swap3A_1047 = arith.index_cast %add3A_633 : i32 to index
      %swap3A_1048 = arith.constant 96 : index
      %swap3A_1049 = tpu.vector_load %arg7[%swap3A_1046, %swap3A_1047, %swap3A_1048] {strides = array<i32>} : memref<4x64x128xf32, #tpu.memory_space<vmem>>, vector<1x1x16xf32>,
      %swap3A_1050 = vector.shape_cast %swap3A_1049 : vector<1x1x16xf32> to vector<16xf32>
      %swap3A_1051 = vector.shape_cast %add3A_1044 : vector<16xf32> to vector<1x1x16xf32>
      tpu.vector_store %arg7[%swap3A_1046, %swap3A_1047, %swap3A_1048], %swap3A_1051 {strides = array<i32>} : memref<4x64x128xf32, #tpu.memory_space<vmem>>, vector<1x1x16xf32>,
      %get3A_1052 = arith.index_cast %add3A_633 : i32 to index
      %get3A_1053 = arith.constant 112 : index
      %get3A_1054 = tpu.vector_load %arg8[%get3A_1052, %get3A_1053] {strides = array<i32>} : memref<64x128xf32, #tpu.memory_space<vmem>>, vector<1x16xf32>,
      %get3A_1055 = vector.shape_cast %get3A_1054 : vector<1x16xf32> to vector<16xf32>
      %get3A_1056 = arith.constant 0 : i32
      %get3A_1057 = arith.index_cast %get3A_1056 : i32 to index
      %get3A_1058 = arith.index_cast %add3A_633 : i32 to index
      %get3A_1059 = arith.constant 112 : index
      %get3A_1060 = tpu.vector_load %arg7[%get3A_1057, %get3A_1058, %get3A_1059] {strides = array<i32>} : memref<4x64x128xf32, #tpu.memory_space<vmem>>, vector<1x1x16xf32>,
      %get3A_1061 = vector.shape_cast %get3A_1060 : vector<1x1x16xf32> to vector<16xf32>
      %add3A_1062 = arith.addf %get3A_1061, %get3A_1055 : vector<16xf32>
      %swap3A_1063 = arith.constant 0 : i32
      %swap3A_1064 = arith.index_cast %swap3A_1063 : i32 to index
      %swap3A_1065 = arith.index_cast %add3A_633 : i32 to index
      %swap3A_1066 = arith.constant 112 : index
      %swap3A_1067 = tpu.vector_load %arg7[%swap3A_1064, %swap3A_1065, %swap3A_1066] {strides = array<i32>} : memref<4x64x128xf32, #tpu.memory_space<vmem>>, vector<1x1x16xf32>,
      %swap3A_1068 = vector.shape_cast %swap3A_1067 : vector<1x1x16xf32> to vector<16xf32>
      %swap3A_1069 = vector.shape_cast %add3A_1062 : vector<16xf32> to vector<1x1x16xf32>
      tpu.vector_store %arg7[%swap3A_1064, %swap3A_1065, %swap3A_1066], %swap3A_1069 {strides = array<i32>} : memref<4x64x128xf32, #tpu.memory_space<vmem>>, vector<1x1x16xf32>,
      %get3A_1070 = arith.constant 1 : i32
      %get3A_1071 = arith.index_cast %get3A_1070 : i32 to index
      %get3A_1072 = arith.index_cast %add3A_633 : i32 to index
      %get3A_1073 = arith.constant 112 : index
      %get3A_1074 = tpu.vector_load %arg7[%get3A_1071, %get3A_1072, %get3A_1073] {strides = array<i32>} : memref<4x64x128xf32, #tpu.memory_space<vmem>>, vector<1x1x16xf32>,
      %get3A_1075 = vector.shape_cast %get3A_1074 : vector<1x1x16xf32> to vector<16xf32>
      %add3A_1076 = arith.addf %get3A_1075, %get3A_1055 : vector<16xf32>
      %swap3A_1077 = arith.constant 1 : i32
      %swap3A_1078 = arith.index_cast %swap3A_1077 : i32 to index
      %swap3A_1079 = arith.index_cast %add3A_633 : i32 to index
      %swap3A_1080 = arith.constant 112 : index
      %swap3A_1081 = tpu.vector_load %arg7[%swap3A_1078, %swap3A_1079, %swap3A_1080] {strides = array<i32>} : memref<4x64x128xf32, #tpu.memory_space<vmem>>, vector<1x1x16xf32>,
      %swap3A_1082 = vector.shape_cast %swap3A_1081 : vector<1x1x16xf32> to vector<16xf32>
      %swap3A_1083 = vector.shape_cast %add3A_1076 : vector<16xf32> to vector<1x1x16xf32>
      tpu.vector_store %arg7[%swap3A_1078, %swap3A_1079, %swap3A_1080], %swap3A_1083 {strides = array<i32>} : memref<4x64x128xf32, #tpu.memory_space<vmem>>, vector<1x1x16xf32>,
      %get3A_1084 = arith.constant 2 : i32
      %get3A_1085 = arith.index_cast %get3A_1084 : i32 to index
      %get3A_1086 = arith.index_cast %add3A_633 : i32 to index
      %get3A_1087 = arith.constant 112 : index
      %get3A_1088 = tpu.vector_load %arg7[%get3A_1085, %get3A_1086, %get3A_1087] {strides = array<i32>} : memref<4x64x128xf32, #tpu.memory_space<vmem>>, vector<1x1x16xf32>,
      %get3A_1089 = vector.shape_cast %get3A_1088 : vector<1x1x16xf32> to vector<16xf32>
      %add3A_1090 = arith.addf %get3A_1089, %get3A_1055 : vector<16xf32>
      %swap3A_1091 = arith.constant 2 : i32
      %swap3A_1092 = arith.index_cast %swap3A_1091 : i32 to index
      %swap3A_1093 = arith.index_cast %add3A_633 : i32 to index
      %swap3A_1094 = arith.constant 112 : index
      %swap3A_1095 = tpu.vector_load %arg7[%swap3A_1092, %swap3A_1093, %swap3A_1094] {strides = array<i32>} : memref<4x64x128xf32, #tpu.memory_space<vmem>>, vector<1x1x16xf32>,
      %swap3A_1096 = vector.shape_cast %swap3A_1095 : vector<1x1x16xf32> to vector<16xf32>
      %swap3A_1097 = vector.shape_cast %add3A_1090 : vector<16xf32> to vector<1x1x16xf32>
      tpu.vector_store %arg7[%swap3A_1092, %swap3A_1093, %swap3A_1094], %swap3A_1097 {strides = array<i32>} : memref<4x64x128xf32, #tpu.memory_space<vmem>>, vector<1x1x16xf32>,
      %get3A_1098 = arith.constant 3 : i32
      %get3A_1099 = arith.index_cast %get3A_1098 : i32 to index
      %get3A_1100 = arith.index_cast %add3A_633 : i32 to index
      %get3A_1101 = arith.constant 112 : index
      %get3A_1102 = tpu.vector_load %arg7[%get3A_1099, %get3A_1100, %get3A_1101] {strides = array<i32>} : memref<4x64x128xf32, #tpu.memory_space<vmem>>, vector<1x1x16xf32>,
      %get3A_1103 = vector.shape_cast %get3A_1102 : vector<1x1x16xf32> to vector<16xf32>
      %add3A_1104 = arith.addf %get3A_1103, %get3A_1055 : vector<16xf32>
      %swap3A_1105 = arith.constant 3 : i32
      %swap3A_1106 = arith.index_cast %swap3A_1105 : i32 to index
      %swap3A_1107 = arith.index_cast %add3A_633 : i32 to index
      %swap3A_1108 = arith.constant 112 : index
      %swap3A_1109 = tpu.vector_load %arg7[%swap3A_1106, %swap3A_1107, %swap3A_1108] {strides = array<i32>} : memref<4x64x128xf32, #tpu.memory_space<vmem>>, vector<1x1x16xf32>,
      %swap3A_1110 = vector.shape_cast %swap3A_1109 : vector<1x1x16xf32> to vector<16xf32>
      %swap3A_1111 = vector.shape_cast %add3A_1104 : vector<16xf32> to vector<1x1x16xf32>
      tpu.vector_store %arg7[%swap3A_1106, %swap3A_1107, %swap3A_1108], %swap3A_1111 {strides = array<i32>} : memref<4x64x128xf32, #tpu.memory_space<vmem>>, vector<1x1x16xf32>,
      %scan3A_1112 = arith.constant 0 : i32
      scf.yield %scan3A_1112 : i32
    }
    %scan3A_429 = arith.constant 32 : i32
    %add3A_430 = arith.constant 32 : i32
    %add3A_431 = arith.addi %mul3A_2, %add3A_430 : i32
    %dma_start3A_432 = arith.constant 0 : i32
    %dma_start3A_433 = arith.constant 0 : i32
    %dma_start3A_434 = arith.constant 32 : i32
    %dma_start3A_435 = arith.constant 0 : i32
    %dma_start3A_436 = tpu.memref_slice %arg7[%dma_start3A_432, %dma_start3A_434, %dma_start3A_435] : memref<4x64x128xf32, #tpu.memory_space<vmem>> -> memref<1x32x128xf32, #tpu.memory_space<vmem>>
    %dma_start3A_437 = tpu.memref_squeeze %dma_start3A_436 : memref<1x32x128xf32, #tpu.memory_space<vmem>> -> memref<32x128xf32, #tpu.memory_space<vmem>>
    %dma_start3A_438 = arith.constant 0 : i32
    %dma_start3A_439 = tpu.memref_slice %arg5[%dma_start3A_433, %add3A_431, %dma_start3A_438] : memref<4x2048x128xf32, #tpu.memory_space<hbm>> -> memref<1x32x128xf32, #tpu.memory_space<hbm>>
    %dma_start3A_440 = tpu.memref_squeeze %dma_start3A_439 : memref<1x32x128xf32, #tpu.memory_space<hbm>> -> memref<32x128xf32, #tpu.memory_space<hbm>>
    %dma_start3A_441 = arith.constant 0 : i32
    %dma_start3A_442 = tpu.memref_slice %arg5[%dma_start3A_433, %add3A_431, %dma_start3A_441] : memref<4x2048x128xf32, #tpu.memory_space<hbm>> -> memref<1x32x128xf32, #tpu.memory_space<hbm>>
    %dma_start3A_443 = tpu.memref_squeeze %dma_start3A_442 : memref<1x32x128xf32, #tpu.memory_space<hbm>> -> memref<32x128xf32, #tpu.memory_space<hbm>>
    %dma_start3A_444 = arith.constant 32 : i32
    %dma_start3A_445 = arith.constant 0 : i32
    %dma_start3A_446 = tpu.memref_slice %arg7[%dma_start3A_432, %dma_start3A_444, %dma_start3A_445] : memref<4x64x128xf32, #tpu.memory_space<vmem>> -> memref<1x32x128xf32, #tpu.memory_space<vmem>>
    %dma_start3A_447 = tpu.memref_squeeze %dma_start3A_446 : memref<1x32x128xf32, #tpu.memory_space<vmem>> -> memref<32x128xf32, #tpu.memory_space<vmem>>
    tpu.enqueue_dma source(%dma_start3A_447 : memref<32x128xf32, #tpu.memory_space<vmem>>) target(%dma_start3A_443 : memref<32x128xf32, #tpu.memory_space<hbm>>) target_semaphore(%arg10 : memref<!tpu.dma_semaphore, #tpu.memory_space<semaphore_mem>>)
    %add3A_448 = arith.constant 32 : i32
    %add3A_449 = arith.addi %mul3A_2, %add3A_448 : i32
    %dma_start3A_450 = arith.constant 1 : i32
    %dma_start3A_451 = arith.constant 1 : i32
    %dma_start3A_452 = arith.constant 32 : i32
    %dma_start3A_453 = arith.constant 0 : i32
    %dma_start3A_454 = tpu.memref_slice %arg7[%dma_start3A_450, %dma_start3A_452, %dma_start3A_453] : memref<4x64x128xf32, #tpu.memory_space<vmem>> -> memref<1x32x128xf32, #tpu.memory_space<vmem>>
    %dma_start3A_455 = tpu.memref_squeeze %dma_start3A_454 : memref<1x32x128xf32, #tpu.memory_space<vmem>> -> memref<32x128xf32, #tpu.memory_space<vmem>>
    %dma_start3A_456 = arith.constant 0 : i32
    %dma_start3A_457 = tpu.memref_slice %arg5[%dma_start3A_451, %add3A_449, %dma_start3A_456] : memref<4x2048x128xf32, #tpu.memory_space<hbm>> -> memref<1x32x128xf32, #tpu.memory_space<hbm>>
    %dma_start3A_458 = tpu.memref_squeeze %dma_start3A_457 : memref<1x32x128xf32, #tpu.memory_space<hbm>> -> memref<32x128xf32, #tpu.memory_space<hbm>>
    %dma_start3A_459 = arith.constant 0 : i32
    %dma_start3A_460 = tpu.memref_slice %arg5[%dma_start3A_451, %add3A_449, %dma_start3A_459] : memref<4x2048x128xf32, #tpu.memory_space<hbm>> -> memref<1x32x128xf32, #tpu.memory_space<hbm>>
    %dma_start3A_461 = tpu.memref_squeeze %dma_start3A_460 : memref<1x32x128xf32, #tpu.memory_space<hbm>> -> memref<32x128xf32, #tpu.memory_space<hbm>>
    %dma_start3A_462 = arith.constant 32 : i32
    %dma_start3A_463 = arith.constant 0 : i32
    %dma_start3A_464 = tpu.memref_slice %arg7[%dma_start3A_450, %dma_start3A_462, %dma_start3A_463] : memref<4x64x128xf32, #tpu.memory_space<vmem>> -> memref<1x32x128xf32, #tpu.memory_space<vmem>>
    %dma_start3A_465 = tpu.memref_squeeze %dma_start3A_464 : memref<1x32x128xf32, #tpu.memory_space<vmem>> -> memref<32x128xf32, #tpu.memory_space<vmem>>
    tpu.enqueue_dma source(%dma_start3A_465 : memref<32x128xf32, #tpu.memory_space<vmem>>) target(%dma_start3A_461 : memref<32x128xf32, #tpu.memory_space<hbm>>) target_semaphore(%arg10 : memref<!tpu.dma_semaphore, #tpu.memory_space<semaphore_mem>>)
    %add3A_466 = arith.constant 32 : i32
    %add3A_467 = arith.addi %mul3A_2, %add3A_466 : i32
    %dma_start3A_468 = arith.constant 2 : i32
    %dma_start3A_469 = arith.constant 2 : i32
    %dma_start3A_470 = arith.constant 32 : i32
    %dma_start3A_471 = arith.constant 0 : i32
    %dma_start3A_472 = tpu.memref_slice %arg7[%dma_start3A_468, %dma_start3A_470, %dma_start3A_471] : memref<4x64x128xf32, #tpu.memory_space<vmem>> -> memref<1x32x128xf32, #tpu.memory_space<vmem>>
    %dma_start3A_473 = tpu.memref_squeeze %dma_start3A_472 : memref<1x32x128xf32, #tpu.memory_space<vmem>> -> memref<32x128xf32, #tpu.memory_space<vmem>>
    %dma_start3A_474 = arith.constant 0 : i32
    %dma_start3A_475 = tpu.memref_slice %arg5[%dma_start3A_469, %add3A_467, %dma_start3A_474] : memref<4x2048x128xf32, #tpu.memory_space<hbm>> -> memref<1x32x128xf32, #tpu.memory_space<hbm>>
    %dma_start3A_476 = tpu.memref_squeeze %dma_start3A_475 : memref<1x32x128xf32, #tpu.memory_space<hbm>> -> memref<32x128xf32, #tpu.memory_space<hbm>>
    %dma_start3A_477 = arith.constant 0 : i32
    %dma_start3A_478 = tpu.memref_slice %arg5[%dma_start3A_469, %add3A_467, %dma_start3A_477] : memref<4x2048x128xf32, #tpu.memory_space<hbm>> -> memref<1x32x128xf32, #tpu.memory_space<hbm>>
    %dma_start3A_479 = tpu.memref_squeeze %dma_start3A_478 : memref<1x32x128xf32, #tpu.memory_space<hbm>> -> memref<32x128xf32, #tpu.memory_space<hbm>>
    %dma_start3A_480 = arith.constant 32 : i32
    %dma_start3A_481 = arith.constant 0 : i32
    %dma_start3A_482 = tpu.memref_slice %arg7[%dma_start3A_468, %dma_start3A_480, %dma_start3A_481] : memref<4x64x128xf32, #tpu.memory_space<vmem>> -> memref<1x32x128xf32, #tpu.memory_space<vmem>>
    %dma_start3A_483 = tpu.memref_squeeze %dma_start3A_482 : memref<1x32x128xf32, #tpu.memory_space<vmem>> -> memref<32x128xf32, #tpu.memory_space<vmem>>
    tpu.enqueue_dma source(%dma_start3A_483 : memref<32x128xf32, #tpu.memory_space<vmem>>) target(%dma_start3A_479 : memref<32x128xf32, #tpu.memory_space<hbm>>) target_semaphore(%arg10 : memref<!tpu.dma_semaphore, #tpu.memory_space<semaphore_mem>>)
    %add3A_484 = arith.constant 32 : i32
    %add3A_485 = arith.addi %mul3A_2, %add3A_484 : i32
    %dma_start3A_486 = arith.constant 3 : i32
    %dma_start3A_487 = arith.constant 3 : i32
    %dma_start3A_488 = arith.constant 32 : i32
    %dma_start3A_489 = arith.constant 0 : i32
    %dma_start3A_490 = tpu.memref_slice %arg7[%dma_start3A_486, %dma_start3A_488, %dma_start3A_489] : memref<4x64x128xf32, #tpu.memory_space<vmem>> -> memref<1x32x128xf32, #tpu.memory_space<vmem>>
    %dma_start3A_491 = tpu.memref_squeeze %dma_start3A_490 : memref<1x32x128xf32, #tpu.memory_space<vmem>> -> memref<32x128xf32, #tpu.memory_space<vmem>>
    %dma_start3A_492 = arith.constant 0 : i32
    %dma_start3A_493 = tpu.memref_slice %arg5[%dma_start3A_487, %add3A_485, %dma_start3A_492] : memref<4x2048x128xf32, #tpu.memory_space<hbm>> -> memref<1x32x128xf32, #tpu.memory_space<hbm>>
    %dma_start3A_494 = tpu.memref_squeeze %dma_start3A_493 : memref<1x32x128xf32, #tpu.memory_space<hbm>> -> memref<32x128xf32, #tpu.memory_space<hbm>>
    %dma_start3A_495 = arith.constant 0 : i32
    %dma_start3A_496 = tpu.memref_slice %arg5[%dma_start3A_487, %add3A_485, %dma_start3A_495] : memref<4x2048x128xf32, #tpu.memory_space<hbm>> -> memref<1x32x128xf32, #tpu.memory_space<hbm>>
    %dma_start3A_497 = tpu.memref_squeeze %dma_start3A_496 : memref<1x32x128xf32, #tpu.memory_space<hbm>> -> memref<32x128xf32, #tpu.memory_space<hbm>>
    %dma_start3A_498 = arith.constant 32 : i32
    %dma_start3A_499 = arith.constant 0 : i32
    %dma_start3A_500 = tpu.memref_slice %arg7[%dma_start3A_486, %dma_start3A_498, %dma_start3A_499] : memref<4x64x128xf32, #tpu.memory_space<vmem>> -> memref<1x32x128xf32, #tpu.memory_space<vmem>>
    %dma_start3A_501 = tpu.memref_squeeze %dma_start3A_500 : memref<1x32x128xf32, #tpu.memory_space<vmem>> -> memref<32x128xf32, #tpu.memory_space<vmem>>
    tpu.enqueue_dma source(%dma_start3A_501 : memref<32x128xf32, #tpu.memory_space<vmem>>) target(%dma_start3A_497 : memref<32x128xf32, #tpu.memory_space<hbm>>) target_semaphore(%arg10 : memref<!tpu.dma_semaphore, #tpu.memory_space<semaphore_mem>>)
    %dma_wait3A_502 = arith.constant 0 : i32
    %dma_wait3A_503 = arith.constant 0 : i32
    %dma_wait3A_504 = arith.constant 0 : i32
    %dma_wait3A_505 = arith.constant 0 : i32
    %dma_wait3A_506 = tpu.memref_slice %arg7[%dma_wait3A_502, %dma_wait3A_504, %dma_wait3A_505] : memref<4x64x128xf32, #tpu.memory_space<vmem>> -> memref<1x32x128xf32, #tpu.memory_space<vmem>>
    %dma_wait3A_507 = tpu.memref_squeeze %dma_wait3A_506 : memref<1x32x128xf32, #tpu.memory_space<vmem>> -> memref<32x128xf32, #tpu.memory_space<vmem>>
    %dma_wait3A_508 = arith.constant 0 : i32
    %dma_wait3A_509 = tpu.memref_slice %arg5[%dma_wait3A_503, %add3A_292, %dma_wait3A_508] : memref<4x2048x128xf32, #tpu.memory_space<hbm>> -> memref<1x32x128xf32, #tpu.memory_space<hbm>>
    %dma_wait3A_510 = tpu.memref_squeeze %dma_wait3A_509 : memref<1x32x128xf32, #tpu.memory_space<hbm>> -> memref<32x128xf32, #tpu.memory_space<hbm>>
    %dma_wait3A_511 = arith.constant 0 : i32
    %dma_wait3A_512 = tpu.memref_slice %arg5[%dma_wait3A_503, %add3A_292, %dma_wait3A_511] : memref<4x2048x128xf32, #tpu.memory_space<hbm>> -> memref<1x32x128xf32, #tpu.memory_space<hbm>>
    %dma_wait3A_513 = tpu.memref_squeeze %dma_wait3A_512 : memref<1x32x128xf32, #tpu.memory_space<hbm>> -> memref<32x128xf32, #tpu.memory_space<hbm>>
    %dma_wait3A_514 = arith.constant 0 : i32
    %dma_wait3A_515 = arith.constant 0 : i32
    %dma_wait3A_516 = tpu.memref_slice %arg7[%dma_wait3A_502, %dma_wait3A_514, %dma_wait3A_515] : memref<4x64x128xf32, #tpu.memory_space<vmem>> -> memref<1x32x128xf32, #tpu.memory_space<vmem>>
    %dma_wait3A_517 = tpu.memref_squeeze %dma_wait3A_516 : memref<1x32x128xf32, #tpu.memory_space<vmem>> -> memref<32x128xf32, #tpu.memory_space<vmem>>
    tpu.wait_dma2 semaphore(%arg10 : memref<!tpu.dma_semaphore, #tpu.memory_space<semaphore_mem>>) src(%dma_wait3A_517 : memref<32x128xf32, #tpu.memory_space<vmem>>) dst(%dma_wait3A_513 : memref<32x128xf32, #tpu.memory_space<hbm>>)
    %dma_wait3A_518 = arith.constant 1 : i32
    %dma_wait3A_519 = arith.constant 1 : i32
    %dma_wait3A_520 = arith.constant 0 : i32
    %dma_wait3A_521 = arith.constant 0 : i32
    %dma_wait3A_522 = tpu.memref_slice %arg7[%dma_wait3A_518, %dma_wait3A_520, %dma_wait3A_521] : memref<4x64x128xf32, #tpu.memory_space<vmem>> -> memref<1x32x128xf32, #tpu.memory_space<vmem>>
    %dma_wait3A_523 = tpu.memref_squeeze %dma_wait3A_522 : memref<1x32x128xf32, #tpu.memory_space<vmem>> -> memref<32x128xf32, #tpu.memory_space<vmem>>
    %dma_wait3A_524 = arith.constant 0 : i32
    %dma_wait3A_525 = tpu.memref_slice %arg5[%dma_wait3A_519, %add3A_310, %dma_wait3A_524] : memref<4x2048x128xf32, #tpu.memory_space<hbm>> -> memref<1x32x128xf32, #tpu.memory_space<hbm>>
    %dma_wait3A_526 = tpu.memref_squeeze %dma_wait3A_525 : memref<1x32x128xf32, #tpu.memory_space<hbm>> -> memref<32x128xf32, #tpu.memory_space<hbm>>
    %dma_wait3A_527 = arith.constant 0 : i32
    %dma_wait3A_528 = tpu.memref_slice %arg5[%dma_wait3A_519, %add3A_310, %dma_wait3A_527] : memref<4x2048x128xf32, #tpu.memory_space<hbm>> -> memref<1x32x128xf32, #tpu.memory_space<hbm>>
    %dma_wait3A_529 = tpu.memref_squeeze %dma_wait3A_528 : memref<1x32x128xf32, #tpu.memory_space<hbm>> -> memref<32x128xf32, #tpu.memory_space<hbm>>
    %dma_wait3A_530 = arith.constant 0 : i32
    %dma_wait3A_531 = arith.constant 0 : i32
    %dma_wait3A_532 = tpu.memref_slice %arg7[%dma_wait3A_518, %dma_wait3A_530, %dma_wait3A_531] : memref<4x64x128xf32, #tpu.memory_space<vmem>> -> memref<1x32x128xf32, #tpu.memory_space<vmem>>
    %dma_wait3A_533 = tpu.memref_squeeze %dma_wait3A_532 : memref<1x32x128xf32, #tpu.memory_space<vmem>> -> memref<32x128xf32, #tpu.memory_space<vmem>>
    tpu.wait_dma2 semaphore(%arg10 : memref<!tpu.dma_semaphore, #tpu.memory_space<semaphore_mem>>) src(%dma_wait3A_533 : memref<32x128xf32, #tpu.memory_space<vmem>>) dst(%dma_wait3A_529 : memref<32x128xf32, #tpu.memory_space<hbm>>)
    %dma_wait3A_534 = arith.constant 2 : i32
    %dma_wait3A_535 = arith.constant 2 : i32
    %dma_wait3A_536 = arith.constant 0 : i32
    %dma_wait3A_537 = arith.constant 0 : i32
    %dma_wait3A_538 = tpu.memref_slice %arg7[%dma_wait3A_534, %dma_wait3A_536, %dma_wait3A_537] : memref<4x64x128xf32, #tpu.memory_space<vmem>> -> memref<1x32x128xf32, #tpu.memory_space<vmem>>
    %dma_wait3A_539 = tpu.memref_squeeze %dma_wait3A_538 : memref<1x32x128xf32, #tpu.memory_space<vmem>> -> memref<32x128xf32, #tpu.memory_space<vmem>>
    %dma_wait3A_540 = arith.constant 0 : i32
    %dma_wait3A_541 = tpu.memref_slice %arg5[%dma_wait3A_535, %add3A_328, %dma_wait3A_540] : memref<4x2048x128xf32, #tpu.memory_space<hbm>> -> memref<1x32x128xf32, #tpu.memory_space<hbm>>
    %dma_wait3A_542 = tpu.memref_squeeze %dma_wait3A_541 : memref<1x32x128xf32, #tpu.memory_space<hbm>> -> memref<32x128xf32, #tpu.memory_space<hbm>>
    %dma_wait3A_543 = arith.constant 0 : i32
    %dma_wait3A_544 = tpu.memref_slice %arg5[%dma_wait3A_535, %add3A_328, %dma_wait3A_543] : memref<4x2048x128xf32, #tpu.memory_space<hbm>> -> memref<1x32x128xf32, #tpu.memory_space<hbm>>
    %dma_wait3A_545 = tpu.memref_squeeze %dma_wait3A_544 : memref<1x32x128xf32, #tpu.memory_space<hbm>> -> memref<32x128xf32, #tpu.memory_space<hbm>>
    %dma_wait3A_546 = arith.constant 0 : i32
    %dma_wait3A_547 = arith.constant 0 : i32
    %dma_wait3A_548 = tpu.memref_slice %arg7[%dma_wait3A_534, %dma_wait3A_546, %dma_wait3A_547] : memref<4x64x128xf32, #tpu.memory_space<vmem>> -> memref<1x32x128xf32, #tpu.memory_space<vmem>>
    %dma_wait3A_549 = tpu.memref_squeeze %dma_wait3A_548 : memref<1x32x128xf32, #tpu.memory_space<vmem>> -> memref<32x128xf32, #tpu.memory_space<vmem>>
    tpu.wait_dma2 semaphore(%arg10 : memref<!tpu.dma_semaphore, #tpu.memory_space<semaphore_mem>>) src(%dma_wait3A_549 : memref<32x128xf32, #tpu.memory_space<vmem>>) dst(%dma_wait3A_545 : memref<32x128xf32, #tpu.memory_space<hbm>>)
    %dma_wait3A_550 = arith.constant 3 : i32
    %dma_wait3A_551 = arith.constant 3 : i32
    %dma_wait3A_552 = arith.constant 0 : i32
    %dma_wait3A_553 = arith.constant 0 : i32
    %dma_wait3A_554 = tpu.memref_slice %arg7[%dma_wait3A_550, %dma_wait3A_552, %dma_wait3A_553] : memref<4x64x128xf32, #tpu.memory_space<vmem>> -> memref<1x32x128xf32, #tpu.memory_space<vmem>>
    %dma_wait3A_555 = tpu.memref_squeeze %dma_wait3A_554 : memref<1x32x128xf32, #tpu.memory_space<vmem>> -> memref<32x128xf32, #tpu.memory_space<vmem>>
    %dma_wait3A_556 = arith.constant 0 : i32
    %dma_wait3A_557 = tpu.memref_slice %arg5[%dma_wait3A_551, %add3A_346, %dma_wait3A_556] : memref<4x2048x128xf32, #tpu.memory_space<hbm>> -> memref<1x32x128xf32, #tpu.memory_space<hbm>>
    %dma_wait3A_558 = tpu.memref_squeeze %dma_wait3A_557 : memref<1x32x128xf32, #tpu.memory_space<hbm>> -> memref<32x128xf32, #tpu.memory_space<hbm>>
    %dma_wait3A_559 = arith.constant 0 : i32
    %dma_wait3A_560 = tpu.memref_slice %arg5[%dma_wait3A_551, %add3A_346, %dma_wait3A_559] : memref<4x2048x128xf32, #tpu.memory_space<hbm>> -> memref<1x32x128xf32, #tpu.memory_space<hbm>>
    %dma_wait3A_561 = tpu.memref_squeeze %dma_wait3A_560 : memref<1x32x128xf32, #tpu.memory_space<hbm>> -> memref<32x128xf32, #tpu.memory_space<hbm>>
    %dma_wait3A_562 = arith.constant 0 : i32
    %dma_wait3A_563 = arith.constant 0 : i32
    %dma_wait3A_564 = tpu.memref_slice %arg7[%dma_wait3A_550, %dma_wait3A_562, %dma_wait3A_563] : memref<4x64x128xf32, #tpu.memory_space<vmem>> -> memref<1x32x128xf32, #tpu.memory_space<vmem>>
    %dma_wait3A_565 = tpu.memref_squeeze %dma_wait3A_564 : memref<1x32x128xf32, #tpu.memory_space<vmem>> -> memref<32x128xf32, #tpu.memory_space<vmem>>
    tpu.wait_dma2 semaphore(%arg10 : memref<!tpu.dma_semaphore, #tpu.memory_space<semaphore_mem>>) src(%dma_wait3A_565 : memref<32x128xf32, #tpu.memory_space<vmem>>) dst(%dma_wait3A_561 : memref<32x128xf32, #tpu.memory_space<hbm>>)
    %dma_wait3A_566 = arith.constant 0 : i32
    %dma_wait3A_567 = arith.constant 0 : i32
    %dma_wait3A_568 = arith.constant 32 : i32
    %dma_wait3A_569 = arith.constant 0 : i32
    %dma_wait3A_570 = tpu.memref_slice %arg7[%dma_wait3A_566, %dma_wait3A_568, %dma_wait3A_569] : memref<4x64x128xf32, #tpu.memory_space<vmem>> -> memref<1x32x128xf32, #tpu.memory_space<vmem>>
    %dma_wait3A_571 = tpu.memref_squeeze %dma_wait3A_570 : memref<1x32x128xf32, #tpu.memory_space<vmem>> -> memref<32x128xf32, #tpu.memory_space<vmem>>
    %dma_wait3A_572 = arith.constant 0 : i32
    %dma_wait3A_573 = tpu.memref_slice %arg5[%dma_wait3A_567, %add3A_431, %dma_wait3A_572] : memref<4x2048x128xf32, #tpu.memory_space<hbm>> -> memref<1x32x128xf32, #tpu.memory_space<hbm>>
    %dma_wait3A_574 = tpu.memref_squeeze %dma_wait3A_573 : memref<1x32x128xf32, #tpu.memory_space<hbm>> -> memref<32x128xf32, #tpu.memory_space<hbm>>
    %dma_wait3A_575 = arith.constant 0 : i32
    %dma_wait3A_576 = tpu.memref_slice %arg5[%dma_wait3A_567, %add3A_431, %dma_wait3A_575] : memref<4x2048x128xf32, #tpu.memory_space<hbm>> -> memref<1x32x128xf32, #tpu.memory_space<hbm>>
    %dma_wait3A_577 = tpu.memref_squeeze %dma_wait3A_576 : memref<1x32x128xf32, #tpu.memory_space<hbm>> -> memref<32x128xf32, #tpu.memory_space<hbm>>
    %dma_wait3A_578 = arith.constant 32 : i32
    %dma_wait3A_579 = arith.constant 0 : i32
    %dma_wait3A_580 = tpu.memref_slice %arg7[%dma_wait3A_566, %dma_wait3A_578, %dma_wait3A_579] : memref<4x64x128xf32, #tpu.memory_space<vmem>> -> memref<1x32x128xf32, #tpu.memory_space<vmem>>
    %dma_wait3A_581 = tpu.memref_squeeze %dma_wait3A_580 : memref<1x32x128xf32, #tpu.memory_space<vmem>> -> memref<32x128xf32, #tpu.memory_space<vmem>>
    tpu.wait_dma2 semaphore(%arg10 : memref<!tpu.dma_semaphore, #tpu.memory_space<semaphore_mem>>) src(%dma_wait3A_581 : memref<32x128xf32, #tpu.memory_space<vmem>>) dst(%dma_wait3A_577 : memref<32x128xf32, #tpu.memory_space<hbm>>)
    %dma_wait3A_582 = arith.constant 1 : i32
    %dma_wait3A_583 = arith.constant 1 : i32
    %dma_wait3A_584 = arith.constant 32 : i32
    %dma_wait3A_585 = arith.constant 0 : i32
    %dma_wait3A_586 = tpu.memref_slice %arg7[%dma_wait3A_582, %dma_wait3A_584, %dma_wait3A_585] : memref<4x64x128xf32, #tpu.memory_space<vmem>> -> memref<1x32x128xf32, #tpu.memory_space<vmem>>
    %dma_wait3A_587 = tpu.memref_squeeze %dma_wait3A_586 : memref<1x32x128xf32, #tpu.memory_space<vmem>> -> memref<32x128xf32, #tpu.memory_space<vmem>>
    %dma_wait3A_588 = arith.constant 0 : i32
    %dma_wait3A_589 = tpu.memref_slice %arg5[%dma_wait3A_583, %add3A_449, %dma_wait3A_588] : memref<4x2048x128xf32, #tpu.memory_space<hbm>> -> memref<1x32x128xf32, #tpu.memory_space<hbm>>
    %dma_wait3A_590 = tpu.memref_squeeze %dma_wait3A_589 : memref<1x32x128xf32, #tpu.memory_space<hbm>> -> memref<32x128xf32, #tpu.memory_space<hbm>>
    %dma_wait3A_591 = arith.constant 0 : i32
    %dma_wait3A_592 = tpu.memref_slice %arg5[%dma_wait3A_583, %add3A_449, %dma_wait3A_591] : memref<4x2048x128xf32, #tpu.memory_space<hbm>> -> memref<1x32x128xf32, #tpu.memory_space<hbm>>
    %dma_wait3A_593 = tpu.memref_squeeze %dma_wait3A_592 : memref<1x32x128xf32, #tpu.memory_space<hbm>> -> memref<32x128xf32, #tpu.memory_space<hbm>>
    %dma_wait3A_594 = arith.constant 32 : i32
    %dma_wait3A_595 = arith.constant 0 : i32
    %dma_wait3A_596 = tpu.memref_slice %arg7[%dma_wait3A_582, %dma_wait3A_594, %dma_wait3A_595] : memref<4x64x128xf32, #tpu.memory_space<vmem>> -> memref<1x32x128xf32, #tpu.memory_space<vmem>>
    %dma_wait3A_597 = tpu.memref_squeeze %dma_wait3A_596 : memref<1x32x128xf32, #tpu.memory_space<vmem>> -> memref<32x128xf32, #tpu.memory_space<vmem>>
    tpu.wait_dma2 semaphore(%arg10 : memref<!tpu.dma_semaphore, #tpu.memory_space<semaphore_mem>>) src(%dma_wait3A_597 : memref<32x128xf32, #tpu.memory_space<vmem>>) dst(%dma_wait3A_593 : memref<32x128xf32, #tpu.memory_space<hbm>>)
    %dma_wait3A_598 = arith.constant 2 : i32
    %dma_wait3A_599 = arith.constant 2 : i32
    %dma_wait3A_600 = arith.constant 32 : i32
    %dma_wait3A_601 = arith.constant 0 : i32
    %dma_wait3A_602 = tpu.memref_slice %arg7[%dma_wait3A_598, %dma_wait3A_600, %dma_wait3A_601] : memref<4x64x128xf32, #tpu.memory_space<vmem>> -> memref<1x32x128xf32, #tpu.memory_space<vmem>>
    %dma_wait3A_603 = tpu.memref_squeeze %dma_wait3A_602 : memref<1x32x128xf32, #tpu.memory_space<vmem>> -> memref<32x128xf32, #tpu.memory_space<vmem>>
    %dma_wait3A_604 = arith.constant 0 : i32
    %dma_wait3A_605 = tpu.memref_slice %arg5[%dma_wait3A_599, %add3A_467, %dma_wait3A_604] : memref<4x2048x128xf32, #tpu.memory_space<hbm>> -> memref<1x32x128xf32, #tpu.memory_space<hbm>>
    %dma_wait3A_606 = tpu.memref_squeeze %dma_wait3A_605 : memref<1x32x128xf32, #tpu.memory_space<hbm>> -> memref<32x128xf32, #tpu.memory_space<hbm>>
    %dma_wait3A_607 = arith.constant 0 : i32
    %dma_wait3A_608 = tpu.memref_slice %arg5[%dma_wait3A_599, %add3A_467, %dma_wait3A_607] : memref<4x2048x128xf32, #tpu.memory_space<hbm>> -> memref<1x32x128xf32, #tpu.memory_space<hbm>>
    %dma_wait3A_609 = tpu.memref_squeeze %dma_wait3A_608 : memref<1x32x128xf32, #tpu.memory_space<hbm>> -> memref<32x128xf32, #tpu.memory_space<hbm>>
    %dma_wait3A_610 = arith.constant 32 : i32
    %dma_wait3A_611 = arith.constant 0 : i32
    %dma_wait3A_612 = tpu.memref_slice %arg7[%dma_wait3A_598, %dma_wait3A_610, %dma_wait3A_611] : memref<4x64x128xf32, #tpu.memory_space<vmem>> -> memref<1x32x128xf32, #tpu.memory_space<vmem>>
    %dma_wait3A_613 = tpu.memref_squeeze %dma_wait3A_612 : memref<1x32x128xf32, #tpu.memory_space<vmem>> -> memref<32x128xf32, #tpu.memory_space<vmem>>
    tpu.wait_dma2 semaphore(%arg10 : memref<!tpu.dma_semaphore, #tpu.memory_space<semaphore_mem>>) src(%dma_wait3A_613 : memref<32x128xf32, #tpu.memory_space<vmem>>) dst(%dma_wait3A_609 : memref<32x128xf32, #tpu.memory_space<hbm>>)
    %dma_wait3A_614 = arith.constant 3 : i32
    %dma_wait3A_615 = arith.constant 3 : i32
    %dma_wait3A_616 = arith.constant 32 : i32
    %dma_wait3A_617 = arith.constant 0 : i32
    %dma_wait3A_618 = tpu.memref_slice %arg7[%dma_wait3A_614, %dma_wait3A_616, %dma_wait3A_617] : memref<4x64x128xf32, #tpu.memory_space<vmem>> -> memref<1x32x128xf32, #tpu.memory_space<vmem>>
    %dma_wait3A_619 = tpu.memref_squeeze %dma_wait3A_618 : memref<1x32x128xf32, #tpu.memory_space<vmem>> -> memref<32x128xf32, #tpu.memory_space<vmem>>
    %dma_wait3A_620 = arith.constant 0 : i32
    %dma_wait3A_621 = tpu.memref_slice %arg5[%dma_wait3A_615, %add3A_485, %dma_wait3A_620] : memref<4x2048x128xf32, #tpu.memory_space<hbm>> -> memref<1x32x128xf32, #tpu.memory_space<hbm>>
    %dma_wait3A_622 = tpu.memref_squeeze %dma_wait3A_621 : memref<1x32x128xf32, #tpu.memory_space<hbm>> -> memref<32x128xf32, #tpu.memory_space<hbm>>
    %dma_wait3A_623 = arith.constant 0 : i32
    %dma_wait3A_624 = tpu.memref_slice %arg5[%dma_wait3A_615, %add3A_485, %dma_wait3A_623] : memref<4x2048x128xf32, #tpu.memory_space<hbm>> -> memref<1x32x128xf32, #tpu.memory_space<hbm>>
    %dma_wait3A_625 = tpu.memref_squeeze %dma_wait3A_624 : memref<1x32x128xf32, #tpu.memory_space<hbm>> -> memref<32x128xf32, #tpu.memory_space<hbm>>
    %dma_wait3A_626 = arith.constant 32 : i32
    %dma_wait3A_627 = arith.constant 0 : i32
    %dma_wait3A_628 = tpu.memref_slice %arg7[%dma_wait3A_614, %dma_wait3A_626, %dma_wait3A_627] : memref<4x64x128xf32, #tpu.memory_space<vmem>> -> memref<1x32x128xf32, #tpu.memory_space<vmem>>
    %dma_wait3A_629 = tpu.memref_squeeze %dma_wait3A_628 : memref<1x32x128xf32, #tpu.memory_space<vmem>> -> memref<32x128xf32, #tpu.memory_space<vmem>>
    tpu.wait_dma2 semaphore(%arg10 : memref<!tpu.dma_semaphore, #tpu.memory_space<semaphore_mem>>) src(%dma_wait3A_629 : memref<32x128xf32, #tpu.memory_space<vmem>>) dst(%dma_wait3A_625 : memref<32x128xf32, #tpu.memory_space<hbm>>)
    return
  }
}

</mosaic_0001>

<sc_bundles>
// kernel: kernel.3.cloned.1.call-start
scs
__scs_entry_jumppad:
0x0: {  	(pc) =	sbr.rel $0x88, $3  }
0x1: {  	(tag) =	ssettag $0x0;
	lr =	simm.s32 $0x1  }
0x2: {  	[smem:$0x3F9E] =	sst lr;
	_ =	strace $0xD0000000  }
0x3: {  	_ = 	snop  }
0x4: {  	_ = 	snop  }
0x5: {  	_ = 	snop  }
0x6: {  	_ = 	snop  }
0x7: {  	_ = 	snop  }
__scs_overlays_trampoline_lowered:
0x8: {  	[smem:$0x3FAD] =	sst s0  }
0x9: {  	[smem:$0x3FAE] =	sst s1  }
0xa: {  	[smem:$0x3FAF] =	sst s2  }
0xb: {  	[smem:$0x3FB0] =	sst s3  }
0xc: {  	[smem:$0x3FB1] =	sst s4  }
0xd: {  	[smem:$0x3FB2] =	sst s5  }
0xe: {  	[smem:$0x3FB3] =	sst s6  }
0xf: {  	[smem:$0x3FB4] =	sst s7  }
0x10: {  	[smem:$0x3FB5] =	sst s8  }
0x11: {  	[smem:$0x3FB6] =	sst s9;
	s0 =	simm.s32 @!p0 $0x0  }
0x12: {  	s1 =	sld [smem:$0x3F9C];
	s0 =	simm.s32 @p0 $0x1  }
0x13: {  	[smem:$0x3FB7] =	sst s0;
	s0 =	simm.s32 @!p1 $0x0  }
0x14: {  	s2 =	sld [smem:$0x3F9B];
	s0 =	simm.s32 @p1 $0x1  }
0x15: {  	[smem:$0x3FB8] =	sst s0;
	s0 =	simm.s32 @!p2 $0x0  }
0x16: {  	s3 =	sld [smem:$0x3FDB];
	s0 =	simm.s32 @p2 $0x1  }
0x17: {  	s4 =	simm.s32 $0x1BF5;
	[smem:$0x3FBA] =	sst s0  }
0x18: {  	s0 =	sld [smem:$0x3F9D];
	_ =	swait.ge [sflag:s4], $0x0  }
0x19: {  	s7 =	sld [smem:$0x3F9E]  }
0x1a: {  	s8 =	sadd.s32 $0xFFFFE003, lr  }
0x1b: {  	s9 =	sadd.s32 $0xFFFFFEF7, lr;
	s5 =	simm.s32 $0xFFFFFFFF;
	p2 =	slt.u32 s8, $0xFFFFF086  }
0x1c: {  	p1 =	slt.u32 s9, $0xF7A;
	s5 =	simm.s32 @!p2 $0x0  }
0x1d: {  	s5 =	simm.s32 @p1 $0x1;
	p0 =	seq.s32 s7, s2  }
0x1e: {  	s7 =	smul.u32 @!p0 $0xF7A, s2;
	p2 =	seq.s32 @!p0 s5, $0x0  }
0x1f: {  	s9 =	smul.u32 $0xF7A, s1;
	s8 =	simm.s32 @!p0 $0x1BF5;
	p2 =	por !p2, p0  }
0x20: {  	[sflag:s8] =	ssyncset.s32 @!p0 $0xFFFFF086;
	s6 =	sadd.s32 @!p0 s3, s7;
	s7 =	simm.s32 @!p0 $0x108  }
0x21: {  	s3 =	sadd.s32 s3, s9;
	s6 =	sadd.s32 @!p0 $0x88, s6;
	s7 =	simm.s32 @p2 $0x1082  }
0x22: {  	[simem:s7], [sflag:s8] =	dma.local @!p0 [hbm:s6], $0xF7A  }
0x23: {  	s9 =	sor.u32 $0xD0000000, s2;
	s6 =	simm.s32 $0x108;
	_ =	swait.ge @!p0 [sflag:s8], $0x0  }
0x24: {  	s3 =	sadd.s32 $0x88, s3;
	s6 =	simm.s32 @!p1 $0x1082;
	[sflag:s4] =	ssyncset.s32 $0xFFFFF086  }
0x25: {  	[simem:s6], [sflag:s4] =	dma.local [hbm:s3], $0xF7A  }
0x26: {  	[smem:$0x3F9E] =	sst s1;
	(tag) =	ssettag s2;
	_ =	strace s9  }
0x27: {  	s1 =	sld [smem:$0x3FAE]  }
0x28: {  	s2 =	sld [smem:$0x3FAF]  }
0x29: {  	s4 =	sld [smem:$0x3FB1]  }
0x2a: {  	p0 =	seq.s32 s5, $0x0;
	s5 =	sld [smem:$0x3FB2]  }
0x2b: {  	s6 =	sld [smem:$0x3FB3]  }
0x2c: {  	s7 =	sld [smem:$0x3FB4]  }
0x2d: {  	s3 =	simm.s32 $0x108;
	s8 =	sld [smem:$0x3FB5]  }
0x2e: {  	s3 =	simm.s32 @!p0 $0x1082;
	s9 =	sld [smem:$0x3FB6]  }
0x2f: {  	lr =	sadd.s32 s0, s3;
	s0 =	sld [smem:$0x3FAD]  }
0x30: {  	s3 =	sld [smem:$0x3FB0]  }
0x31: {  	[smem:$0x3FB9] =	sst s10  }
0x32: {  	s10 =	sld [smem:$0x3FB7];
	_ =	sdelay $0x3  }
0x33: {  	p0 =	seq.s32 s10, $0x1;
	s10 =	sld [smem:$0x3FB9];
	_ =	sdelay $0x3  }
0x34: {  	[smem:$0x3FB9] =	sst s10  }
0x35: {  	s10 =	sld [smem:$0x3FB8];
	_ =	sdelay $0x3  }
0x36: {  	p1 =	seq.s32 s10, $0x1;
	s10 =	sld [smem:$0x3FB9];
	_ =	sdelay $0x3  }
0x37: {  	[smem:$0x3FB9] =	sst s10  }
0x38: {  	s10 =	sld [smem:$0x3FBA]  }
0x39: {  	_ = 	snop;
	(pc) =	sbr.ind lr, $3  }
0x3a: {  	_ = 	snop  }
0x3b: {  	_ = 	snop  }
0x3c: {  	p2 =	seq.s32 s10, $0x1;
	s10 =	sld [smem:$0x3FB9]  }
0x3d: {  	_ =	shalt  }
0x3e: {  	_ =	shalt  }
0x3f: {  	_ =	shalt  }
0x40: {  	_ =	shalt  }
0x41: {  	_ =	shalt  }
0x42: {  	_ =	shalt  }
0x43: {  	_ =	shalt  }
0x44: {  	_ =	shalt  }
0x45: {  	_ =	shalt  }
0x46: {  	_ =	shalt  }
0x47: {  	_ =	shalt  }
0x48: {  	_ =	shalt  }
0x49: {  	_ =	shalt  }
0x4a: {  	_ =	shalt  }
0x4b: {  	_ =	shalt  }
0x4c: {  	_ =	shalt  }
0x4d: {  	_ =	shalt  }
0x4e: {  	_ =	shalt  }
0x4f: {  	_ =	shalt  }
0x50: {  	_ =	shalt  }
0x51: {  	_ =	shalt  }
0x52: {  	_ =	shalt  }
0x53: {  	_ =	shalt  }
0x54: {  	_ =	shalt  }
0x55: {  	_ =	shalt  }
0x56: {  	_ =	shalt  }
0x57: {  	_ =	shalt  }
0x58: {  	_ =	shalt  }
0x59: {  	_ =	shalt  }
0x5a: {  	_ =	shalt  }
0x5b: {  	_ =	shalt  }
0x5c: {  	_ =	shalt  }
0x5d: {  	_ =	shalt  }
0x5e: {  	_ =	shalt  }
0x5f: {  	_ =	shalt  }
0x60: {  	_ =	shalt  }
0x61: {  	_ =	shalt  }
0x62: {  	_ =	shalt  }
0x63: {  	_ =	shalt  }
0x64: {  	_ =	shalt  }
0x65: {  	_ =	shalt  }
0x66: {  	_ =	shalt  }
0x67: {  	_ =	shalt  }
0x68: {  	_ =	shalt  }
0x69: {  	_ =	shalt  }
0x6a: {  	_ =	shalt  }
0x6b: {  	_ =	shalt  }
0x6c: {  	_ =	shalt  }
0x6d: {  	_ =	shalt  }
0x6e: {  	_ =	shalt  }
0x6f: {  	_ =	shalt  }
0x70: {  	_ =	shalt  }
0x71: {  	_ =	shalt  }
0x72: {  	_ =	shalt  }
0x73: {  	_ =	shalt  }
0x74: {  	_ =	shalt  }
0x75: {  	_ =	shalt  }
0x76: {  	_ =	shalt  }
0x77: {  	_ =	shalt  }
0x78: {  	_ =	shalt  }
0x79: {  	_ =	shalt  }
0x7a: {  	_ =	shalt  }
0x7b: {  	_ =	shalt  }
0x7c: {  	_ =	shalt  }
0x7d: {  	_ =	shalt  }
0x7e: {  	_ =	shalt  }
0x7f: {  	_ =	shalt  }
0x80: {  	_ =	shalt  }
0x81: {  	_ =	shalt  }
0x82: {  	_ =	shalt  }
0x83: {  	_ =	shalt  }
0x84: {  	_ =	shalt  }
0x85: {  	_ =	shalt  }
0x86: {  	_ =	shalt  }
0x87: {  	_ =	shalt  }
.Lfunc_end0:
.L_simem_size_0:
called_computation_lowered:
.L_overlay_start_0:
0x88: {  	s2 =	sld [smem:$0x3FD9]  }
0x89: {  	s3 =	sld [smem:$0x3FFE];
	_ =	sdelay $0x1  }
0x8a: {  	s1 =	srdreg.scid  }
0x8b: {  	s0 =	sand.u32 $0x1, s1  }
0x8c: {  	s18 =	sshll.u32 s0, $0xA;
	s2 =	sadd.s32 s3, s2  }
0x8d: {  	s2 =	sadd.s32 s2, s18  }
0x8e: {  	[smem:$0x3FC5] =	sst s2  }
0x8f: {  	_ = 	snop  }
0x90: {  	s2 =	sld [smem:$0x3FC9]  }
0x91: {  	s19 =	sld [smem:$0x3FC8]  }
0x92: {  	s4 =	sld [smem:$0x3FC7]  }
0x93: {  	s5 =	sld [smem:$0x3FD0];
	(tm) =	ssettm $0x1  }
0x94: {  	s6 =	sld [smem:$0x3FFB];
	_ =	sdelay $0x3  }
0x95: {  	_ =	strace s6  }
0x96: {  	s6 =	sld [smem:$0x3FFC];
	_ =	sdelay $0x3  }
0x97: {  	_ =	strace s6  }
0x98: {  	s6 =	sld [smem:$0x3FFD];
	_ =	sdelay $0x3  }
0x99: {  	_ =	strace s6  }
0x9a: {  	_ =	strace $0x8FFFFFFF  }
0x9b: {  	s20 =	sld [smem:$0x3FDB];
	_ =	sdelay $0x1  }
0x9c: {  	s7 =	simm.s32 $_scs_section_size  }
0x9d: {  	s8 =	simm.s32 $_size__tile_overlayer_lowered;
	s9 =	simm.s32 $_tile_overlayer_lowered  }
0x9e: {  	s23 =	simm.s32 $0x1BFF;
	s22 =	sshll.u32 s9, $0x1;
	s6 =	sadd.s32 s7, s20  }
0x9f: {  	s10 =	simm.s32 $0x0;
	s21 =	sshll.u32 s8, $0x1;
	s8 =	sadd.s32 s22, s6  }
0xa0: {  	[timem:s10], [sflag:s23] =	dma.local [hbm:s8], s21  }
0xa1: {  	_ =	swait.ge [sflag:s23], s21  }
0xa2: {  	s7 =	ssub.s32 $0x0, s21;
	[sflag:s23] =	ssyncset.done $0x0  }
0xa3: {  	[sflag:s23] =	ssyncadd.s32 s7;
	_ =	sdelay $0x1  }
0xa4: {  	s24 =	simm.s32 $0x1B8B  }
0xa5: {  	_ =	swait.ge [sflag:s24], $0x1  }
0xa6: {  	[sflag:s24] =	ssyncset.done $0x0  }
0xa7: {  	s25 =	simm.s32 $0x1B8E;
	[sflag:s24] =	ssyncadd.s32 $0xFFFFFFFF  }
0xa8: {  	s26 =	simm.s32 $execute0_lowered;
	[smem:$0x3FD2] =	sst s25  }
0xa9: {  	s7 =	sshll.u32 s26, $0x1;
	_ =	strace $0x80000046;
	[dreg:$0x1] =	wrdreg $0xFFFFFFFF  }
0xaa: {  	s28 =	simm.s32 $_size_execute0_lowered;
	s6 =	sadd.s32 s6, s7;
	[dreg:$0x0] =	wrdreg $0x0  }
0xab: {  	s7 =	sshll.u32 s28, $0x1;
	[dreg:$0x2] =	wrdreg s6  }
0xac: {  	[dreg:$0x3] =	wrdreg s7  }
0xad: {  	[dreg:$0x4] =	wrdreg $0xC0  }
0xae: {  	_ =	task [dreg:s10], $0x5FFFF  }
0xaf: {  	[dreg:$0x1] =	wrdreg $0xFFFFFFFF  }
0xb0: {  	[dreg:$0x0] =	wrdreg $0x60  }
0xb1: {  	[dreg:$0x2] =	wrdreg s2  }
0xb2: {  	[dreg:$0x3] =	wrdreg s19  }
0xb3: {  	[dreg:$0x4] =	wrdreg s4  }
0xb4: {  	[dreg:$0x5] =	wrdreg s5  }
0xb5: {  	[dreg:$0x6] =	wrdreg $0x9  }
0xb6: {  	_ =	task.clear_ibuf [dreg:s10], $0x7FFFF;
	_ =	strace $0x90000046  }
0xb7: {  	s29 =	simm.s32 $0x9;
	_ =	strace $0x80000048  }
0xb8: {  	_ =	swait.ge [sflag:s29], $0x1  }
0xb9: {  	[sflag:s29] =	ssyncadd.s32 $0xFFFFFFFF  }
0xba: {  	_ =	strace $0x90000048  }
0xbb: {  	_ =	sfence  }
0xbc: {  	s30 =	sld [smem:$0x0];
	_ =	sdelay $0x2  }
0xbd: {  	s31 =	sshll.u32 s1, $0xD;
	s1 =	sshrl.u32 s1, $0x2  }
0xbe: {  	s3 =	sand.u32 $0x4000, s31;
	s1 =	sadd.s32 s1, s30  }
0xbf: {  	s0 =	sor.u32 s3, s0;
	s1 =	sshll.u32 s1, $0x11  }
0xc0: {  	s0 =	sor.u32 s1, s0  }
0xc1: {  	s0 =	sadd.s32 $0x8F2B, s0  }
0xc2: {  	[sflag:s0] =	ssyncadd.remote.s32 $0x1  }
0xc3: {  	_ =	sfence.sel $0xFFFF  }
0xc4: {  	[dreg:$0x0] =	wrdreg $0xFFFFFFFF;
	(pc) =	sbr.abs _section_cstart, $3  }
0xc5: {  	[dreg:$0x1] =	wrdreg $0xFFFFFFFF  }
0xc6: {  	_ =	task.clear_ibuf [dreg:s10], $0x2FFFF;
	_ =	strace $0x9FFFFFFF  }
0xc7: {  	(tm) =	ssettm $0x7FFFFFFF  }
tec
execute0_lowered:
.L_overlay_start_1:
0x0: {  	(tag) =	ssettag $0x1  }
0x1: {  	s0 =	rddreg [dreg:$0x0]  }
0x2: {  	s1 =	rddreg [dreg:$0x1]  }
0x3: {  	s2 =	srdreg.scid;
	s5 =	rddreg [dreg:$0x2]  }
0x4: {  	s3 =	stileid.u32;
	s6 =	rddreg [dreg:$0x3];
	s28 =	simm.s32 $0x6200  }
0x5: {  	s29 =	simm.s32 $0x1200;
	s31 =	simm.s32 $0x3200;
	s30 =	simm.s32 $0x7200  }
0x6: {  	s18 =	simm.s32 $0x5;
	s13 =	simm.s32 $0x180;
	s2 =	sand.u32 $0x1, s2  }
0x7: {  	s3 =	sshll.u32 s3, $0x7;
	s4 =	sshll.u32 s2, $0x6;
	s2 =	ssub.s32 $0x2, s2  }
0x8: {  	s7 =	sor.u32 s4, s3;
	s3 =	simm.s32 $0x0;
	s10 =	sshrl.u32 s2, $0x1  }
0x9: {  	s8 =	sshll.u32 s7, $0x2;
	[smem:$0x7FF] =	sst s3;
	s2 =	ssub.s32 s2, s10  }
0xa: {  	s20 =	sshll.u32 s7, $0x4;
	s9 =	sand.u32 $0x1E00, s8;
	_ =	strace $0x80000047  }
0xb: {  	s8 =	sor.u32 s4, s8;
	s7 =	sadd.s32 s6, s20;
	s22 =	sadd.s32 s5, s20  }
0xc: {  	s17 =	smax.u32 s2, $0x1;
	s2 =	simm.s32 $0x1;
	s5 =	simm.s32 $0x3  }
0xd: {  	s6 =	simm.s32 $0x4;
	s20 =	simm.s32 $0x0;
	s9 =	sor.u32 s4, s9  }
0xe: {  	s8 =	sshrl.u32 s8, $0x3;
	[dreg:$0x8] =	wrdreg s22;
	s23 =	sadd.s32 $0x8000, s7  }
0xf: {  	s24 =	sadd.s32 $0x10000, s7;
	s25 =	sadd.s32 $0x18000, s7;
	s26 =	sadd.s32 $0x200, s7  }
0x10: {  	s14 =	sadd.s32 $0x8200, s7;
	s15 =	sadd.s32 $0x10200, s7;
	[dreg:$0x9] =	wrdreg s23  }
0x11: {  	s16 =	sadd.s32 $0x18200, s7;
	s22 =	simm.s32 $0x9;
	[dreg:$0xa] =	wrdreg s24  }
0x12: {  	s9 =	sshrl.u32 s9, $0x3;
	s19 =	sor.u32 $0x20, s8;
	[dreg:$0xb] =	wrdreg s25  }
0x13: {  	s8 =	sor.u32 $0x30, s8;
	[dreg:$0xc] =	wrdreg s26;
	s23 =	simm.s32 $0x20  }
0x14: {  	s25 =	simm.s32 $0x2200;
	s26 =	simm.s32 $0x4200;
	s24 =	simm.s32 $0x8200  }
0x15: {  	s4 =	sadd.s32 s0, s9;
	s21 =	sadd.s32 s0, s19;
	s0 =	sadd.s32 s0, s8  }
0x16: {  	s8 =	simm.s32 $0x6;
	s19 =	simm.s32 $0x7;
	[dreg:$0x6] =	wrdreg s21  }
0x17: {  	s9 =	sadd.s32 $0x10, s4;
	[dreg:$0x7] =	wrdreg s0;
	s0 =	simm.s32 $0x5200  }
0x18: {  	s21 =	simm.s32 $0x2;
	[dreg:$0x5] =	wrdreg s9;
	s9 =	simm.s32 $0x8  }
.LBB2_1:
0x19: {  	[tilespmem:s3], [sflag:$0x9] =	stream.linear.gather [hbm4b:s4+s3], $0x40, $0x38;
	[tilespmem:$0xA200] =	vst v63  }
0x1a: {  	s10 =	rddreg [dreg:$0x5];
	s11 =	simm.s32 $0x80  }
0x1b: {  	[tilespmem:s11], [sflag:$0x9] =	stream.linear.gather [hbm4b:s10+s3], $0x40, $0x38;
	[tilespmem:$0xA200] =	vst v63  }
0x1c: {  	s12 =	simm.s32 $0x100;
	s10 =	rddreg [dreg:$0x6]  }
0x1d: {  	[tilespmem:s12], [sflag:$0x9] =	stream.linear.gather [hbm4b:s10+s3], $0x40, $0x38;
	[tilespmem:$0xA200] =	vst v63  }
0x1e: {  	s10 =	rddreg [dreg:$0x7]  }
0x1f: {  	[tilespmem:s13], [sflag:$0x9] =	stream.linear.gather [hbm4b:s10+s3], $0x40, $0x38;
	[tilespmem:$0xA200] =	vst v63  }
0x20: {  	s10 =	rddreg [dreg:$0x8]  }
0x21: {  	[tilespmem:s24], [sflag:$0x9] =	stream.linear.gather [hbm4b:s10+s3], $0x2000, $0x38;
	[tilespmem:$0xA200] =	vst v63  }
0x22: {  	_ =	swait.ge [sflag:s22], $0x40  }
0x23: {  	[sflag:s22] =	ssyncset.done $0x0  }
0x24: {  	[sflag:s22] =	ssyncadd.s32 $0xFFFFFFC0  }
0x25: {  	_ =	swait.ge [sflag:s22], $0x40  }
0x26: {  	[sflag:s22] =	ssyncset.done $0x0  }
0x27: {  	[sflag:s22] =	ssyncadd.s32 $0xFFFFFFC0  }
0x28: {  	_ =	swait.ge [sflag:s22], $0x40  }
0x29: {  	[sflag:s22] =	ssyncset.done $0x0  }
0x2a: {  	[sflag:s22] =	ssyncadd.s32 $0xFFFFFFC0  }
0x2b: {  	_ =	swait.ge [sflag:s22], $0x40  }
0x2c: {  	[sflag:s22] =	ssyncset.done $0x0  }
0x2d: {  	s10 =	simm.s32 $0x200;
	[sflag:s22] =	ssyncadd.s32 $0xFFFFFFC0  }
0x2e: {  	[tilespmem:s10], [sflag:$0x1] =	stream.indirect.gather [hbm4b:s1+s23], $0x80, s3, s23, $0xb8;
	[tilespmem:$0xA200] =	vst v63  }
0x2f: {  	_ = 	snop  }
0x30: {  	[tilespmem:s25], [sflag:$0x2] =	stream.indirect.gather [hbm4b:s1+s23], $0x80, s11, s23, $0xb8;
	[tilespmem:$0xA200] =	vst v63  }
0x31: {  	_ = 	snop  }
0x32: {  	[tilespmem:s26], [sflag:$0x3] =	stream.indirect.gather [hbm4b:s1+s23], $0x80, s12, s23, $0xb8;
	[tilespmem:$0xA200] =	vst v63  }
0x33: {  	_ = 	snop  }
0x34: {  	[tilespmem:s28], [sflag:$0x4] =	stream.indirect.gather [hbm4b:s1+s23], $0x80, s13, s23, $0xb8;
	[tilespmem:$0xA200] =	vst v63  }
0x35: {  	_ = 	snop  }
0x36: {  	[tilespmem:s29], [sflag:$0x5] =	stream.indirect.gather [hbm4b:s1+s23], $0x80, s23, s23, $0xb8;
	[tilespmem:$0xA200] =	vst v63  }
0x37: {  	s12 =	simm.s32 $0xA0  }
0x38: {  	[tilespmem:s31], [sflag:$0x6] =	stream.indirect.gather [hbm4b:s1+s23], $0x80, s12, s23, $0xb8;
	[tilespmem:$0xA200] =	vst v63  }
0x39: {  	s11 =	simm.s32 $0x120  }
0x3a: {  	[tilespmem:s0], [sflag:$0x7] =	stream.indirect.gather [hbm4b:s1+s23], $0x80, s11, s23, $0xb8;
	[tilespmem:$0xA200] =	vst v63  }
0x3b: {  	s12 =	simm.s32 $0x1A0  }
0x3c: {  	[tilespmem:s30], [sflag:$0x8] =	stream.indirect.gather [hbm4b:s1+s23], $0x80, s12, s23, $0xb8;
	[tilespmem:$0xA200] =	vst v63  }
0x3d: {  	_ =	swait.ge [sflag:s22], $0x2000  }
0x3e: {  	[sflag:s22] =	ssyncset.done $0x0  }
0x3f: {  	[sflag:s22] =	ssyncadd.s32 $0xFFFFE000  }
0x40: {  	_ =	swait.ge [sflag:s2], $0x1000  }
0x41: {  	[sflag:s2] =	ssyncset.done $0x0  }
0x42: {  	[sflag:s2] =	ssyncadd.s32 $0xFFFFF000  }
0x43: {  	_ =	swait.ge [sflag:s21], $0x1000  }
0x44: {  	[sflag:s21] =	ssyncset.done $0x0  }
0x45: {  	[sflag:s21] =	ssyncadd.s32 $0xFFFFF000  }
0x46: {  	_ =	swait.ge [sflag:s5], $0x1000  }
0x47: {  	[sflag:s5] =	ssyncset.done $0x0  }
0x48: {  	[sflag:s5] =	ssyncadd.s32 $0xFFFFF000  }
0x49: {  	_ =	swait.ge [sflag:s6], $0x1000  }
0x4a: {  	[sflag:s6] =	ssyncset.done $0x0  }
0x4b: {  	s10 =	simm.s32 $0x0;
	[sflag:s6] =	ssyncadd.s32 $0xFFFFF000  }
0x4c: {  	v2 =	vld [tilespmem:s10+$0x8200]  }
0x4d: {  	v3 =	vld [tilespmem:s10+$0x8210]  }
0x4e: {  	v4 =	vld [tilespmem:s10+$0x8220]  }
0x4f: {  	v5 =	vld [tilespmem:s10+$0x8230]  }
0x50: {  	v6 =	vld [tilespmem:s10+$0x8240]  }
0x51: {  	v7 =	vld [tilespmem:s10+$0x8250]  }
0x52: {  	v1 =	vld [tilespmem:s10+$0x8260]  }
0x53: {  	v8 =	vld [tilespmem:s10+$0x200]  }
0x54: {  	v9 =	vld [tilespmem:s10+$0x2200]  }
0x55: {  	v10 =	vld [tilespmem:s10+$0x4200]  }
0x56: {  	v11 =	vld [tilespmem:s10+$0x6200]  }
0x57: {  	v12 =	vld [tilespmem:s10+$0x210]  }
0x58: {  	v13 =	vld [tilespmem:s10+$0x2210]  }
0x59: {  	v14 =	vld [tilespmem:s10+$0x4210];
	v8 =	vadd.f32 v8, v2  }
0x5a: {  	v62 =	vld [tilespmem:s10+$0x230];
	v9 =	vadd.f32 v9, v2  }
0x5b: {  	v10 =	vadd.f32 v10, v2;
	v2 =	vadd.f32 v11, v2;
	[tilespmem:s10+$0x200] =	vst v8;
	v8 =	vld [tilespmem:s10+$0x6210]  }
0x5c: {  	[tilespmem:s10+$0x2200] =	vst v9;
	v9 =	vld [tilespmem:s10+$0x220]  }
0x5d: {  	v11 =	vadd.f32 v12, v3;
	[tilespmem:s10+$0x6200] =	vst v2;
	v2 =	vld [tilespmem:s10+$0x4220]  }
0x5e: {  	v60 =	vadd.f32 v13, v3;
	[tilespmem:s10+$0x4200] =	vst v10;
	v10 =	vld [tilespmem:s10+$0x2220]  }
0x5f: {  	v61 =	vadd.f32 v14, v3;
	[tilespmem:s10+$0x210] =	vst v11;
	v11 =	vld [tilespmem:s10+$0x6220]  }
0x60: {  	v0 =	vld [tilespmem:s10+$0x8270];
	[tilespmem:s10+$0x2210] =	vst v60;
	v3 =	vadd.f32 v8, v3  }
0x61: {  	[tilespmem:s10+$0x4210] =	vst v61;
	v8 =	vld [tilespmem:s10+$0x2230];
	v9 =	vadd.f32 v9, v4  }
0x62: {  	v2 =	vadd.f32 v2, v4;
	[tilespmem:s10+$0x6210] =	vst v3;
	v3 =	vld [tilespmem:s10+$0x4230]  }
0x63: {  	v10 =	vadd.f32 v10, v4;
	[tilespmem:s10+$0x220] =	vst v9;
	v9 =	vld [tilespmem:s10+$0x6230]  }
0x64: {  	v4 =	vadd.f32 v11, v4;
	v11 =	vadd.f32 v62, v5;
	[tilespmem:s10+$0x4220] =	vst v2;
	v2 =	vld [tilespmem:s10+$0x2240]  }
0x65: {  	[tilespmem:s10+$0x2220] =	vst v10;
	v10 =	vld [tilespmem:s10+$0x240]  }
0x66: {  	[tilespmem:s10+$0x230] =	vst v11;
	v11 =	vld [tilespmem:s10+$0x6240];
	v8 =	vadd.f32 v8, v5  }
0x67: {  	[tilespmem:s10+$0x6220] =	vst v4;
	v4 =	vld [tilespmem:s10+$0x4240];
	v3 =	vadd.f32 v3, v5  }
0x68: {  	[tilespmem:s10+$0x2230] =	vst v8;
	v8 =	vld [tilespmem:s10+$0x250];
	v5 =	vadd.f32 v9, v5  }
0x69: {  	v9 =	vld [tilespmem:s10+$0x2250];
	v2 =	vadd.f32 v2, v6;
	[tilespmem:s10+$0x4230] =	vst v3  }
0x6a: {  	v3 =	vadd.f32 v10, v6;
	[tilespmem:s10+$0x6230] =	vst v5;
	v5 =	vld [tilespmem:s10+$0x4250]  }
0x6b: {  	v10 =	vld [tilespmem:s10+$0x6250];
	[tilespmem:s10+$0x2240] =	vst v2;
	v2 =	vadd.f32 v11, v6  }
0x6c: {  	v63 =	vld [tilespmem:s10+$0x260];
	[tilespmem:s10+$0x240] =	vst v3;
	v3 =	vadd.f32 v4, v6  }
0x6d: {  	v6 =	vld [tilespmem:s10+$0x2260];
	[tilespmem:s10+$0x6240] =	vst v2;
	v4 =	vadd.f32 v8, v7  }
0x6e: {  	v8 =	vadd.f32 v9, v7;
	[tilespmem:s10+$0x4240] =	vst v3;
	v3 =	vld [tilespmem:s10+$0x4260]  }
0x6f: {  	v2 =	vld [tilespmem:s10+$0x6260];
	[tilespmem:s10+$0x250] =	vst v4;
	v5 =	vadd.f32 v5, v7  }
0x70: {  	[tilespmem:s10+$0x2250] =	vst v8;
	v4 =	vld [tilespmem:s10+$0x270];
	v7 =	vadd.f32 v10, v7  }
0x71: {  	v8 =	vadd.f32 v63, v1;
	[tilespmem:s10+$0x4250] =	vst v5;
	v5 =	vld [tilespmem:s10+$0x2270]  }
0x72: {  	s11 =	simm.s32 $0x200;
	[tilespmem:s10+$0x6250] =	vst v7;
	v7 =	vadd.f32 v6, v1;
	v6 =	vld [tilespmem:s10+$0x4270]  }
.LBB2_2:
0x73: {  	s12 =	sshra.s32 s11, $0x2;
	p0 =	sne.s32 s11, $0x3E00;
	[tilespmem:s10+$0x260] =	vst v8;
	v3 =	vadd.f32 v3, v1;
	v8 =	vld [tilespmem:s10+$0x6270]  }
0x74: {  	v9 =	vld [tilespmem:s12+$0x8200];
	[tilespmem:s10+$0x2260] =	vst v7;
	v1 =	vadd.f32 v2, v1  }
0x75: {  	v2 =	vld [tilespmem:s12+$0x8210];
	[tilespmem:s10+$0x4260] =	vst v3;
	v3 =	vadd.f32 v4, v0  }
0x76: {  	v4 =	vld [tilespmem:s12+$0x8220];
	[tilespmem:s10+$0x6260] =	vst v1;
	v1 =	vadd.f32 v5, v0  }
0x77: {  	v5 =	vld [tilespmem:s12+$0x8230];
	[tilespmem:s10+$0x270] =	vst v3;
	v3 =	vadd.f32 v6, v0  }
0x78: {  	v6 =	vld [tilespmem:s12+$0x8240];
	[tilespmem:s10+$0x2270] =	vst v1;
	v0 =	vadd.f32 v8, v0  }
0x79: {  	v7 =	vld [tilespmem:s12+$0x8250];
	[tilespmem:s10+$0x4270] =	vst v3  }
0x7a: {  	v1 =	vld [tilespmem:s12+$0x8260];
	[tilespmem:s10+$0x6270] =	vst v0;
	s10 =	smov.u32 s12  }
0x7b: {  	v0 =	vld [tilespmem:s10+$0x8270]  }
0x7c: {  	v3 =	vld [tilespmem:s10+$0x200]  }
0x7d: {  	v8 =	vld [tilespmem:s10+$0x2200]  }
0x7e: {  	v10 =	vld [tilespmem:s10+$0x4200]  }
0x7f: {  	v11 =	vld [tilespmem:s10+$0x6200]  }
0x80: {  	v12 =	vld [tilespmem:s10+$0x210]  }
0x81: {  	v3 =	vadd.f32 v3, v9;
	v13 =	vld [tilespmem:s10+$0x2210]  }
0x82: {  	v8 =	vadd.f32 v8, v9;
	v14 =	vld [tilespmem:s10+$0x4210]  }
0x83: {  	[tilespmem:s10+$0x200] =	vst v3;
	v3 =	vadd.f32 v10, v9;
	v10 =	vld [tilespmem:s10+$0x6210]  }
0x84: {  	[tilespmem:s10+$0x2200] =	vst v8;
	v8 =	vadd.f32 v11, v9;
	v9 =	vld [tilespmem:s10+$0x220]  }
0x85: {  	[tilespmem:s10+$0x4200] =	vst v3;
	v3 =	vadd.f32 v12, v2;
	v11 =	vld [tilespmem:s10+$0x2220]  }
0x86: {  	[tilespmem:s10+$0x6200] =	vst v8;
	v8 =	vadd.f32 v13, v2;
	v12 =	vld [tilespmem:s10+$0x4220]  }
0x87: {  	[tilespmem:s10+$0x210] =	vst v3;
	v3 =	vadd.f32 v14, v2;
	v13 =	vld [tilespmem:s10+$0x6220]  }
0x88: {  	[tilespmem:s10+$0x2210] =	vst v8;
	v2 =	vadd.f32 v10, v2;
	v8 =	vld [tilespmem:s10+$0x230]  }
0x89: {  	[tilespmem:s10+$0x4210] =	vst v3;
	v3 =	vadd.f32 v9, v4;
	v9 =	vld [tilespmem:s10+$0x2230]  }
0x8a: {  	[tilespmem:s10+$0x6210] =	vst v2;
	v2 =	vadd.f32 v11, v4;
	v10 =	vld [tilespmem:s10+$0x4230]  }
0x8b: {  	[tilespmem:s10+$0x220] =	vst v3;
	v3 =	vadd.f32 v12, v4;
	v11 =	vld [tilespmem:s10+$0x6230]  }
0x8c: {  	[tilespmem:s10+$0x2220] =	vst v2;
	v2 =	vadd.f32 v13, v4;
	v4 =	vld [tilespmem:s10+$0x240]  }
0x8d: {  	[tilespmem:s10+$0x4220] =	vst v3;
	v3 =	vadd.f32 v8, v5;
	v8 =	vld [tilespmem:s10+$0x2240]  }
0x8e: {  	[tilespmem:s10+$0x6220] =	vst v2;
	v2 =	vadd.f32 v9, v5;
	v9 =	vld [tilespmem:s10+$0x4240]  }
0x8f: {  	[tilespmem:s10+$0x230] =	vst v3;
	v3 =	vadd.f32 v10, v5;
	v10 =	vld [tilespmem:s10+$0x6240]  }
0x90: {  	[tilespmem:s10+$0x2230] =	vst v2;
	v2 =	vadd.f32 v11, v5;
	v5 =	vld [tilespmem:s10+$0x250]  }
0x91: {  	[tilespmem:s10+$0x4230] =	vst v3;
	v3 =	vadd.f32 v4, v6;
	v4 =	vld [tilespmem:s10+$0x2250]  }
0x92: {  	[tilespmem:s10+$0x6230] =	vst v2;
	v2 =	vadd.f32 v8, v6;
	v8 =	vld [tilespmem:s10+$0x4250]  }
0x93: {  	[tilespmem:s10+$0x240] =	vst v3;
	v3 =	vadd.f32 v9, v6;
	v9 =	vld [tilespmem:s10+$0x6250]  }
0x94: {  	[tilespmem:s10+$0x2240] =	vst v2;
	v2 =	vadd.f32 v10, v6;
	v6 =	vld [tilespmem:s10+$0x260]  }
0x95: {  	[tilespmem:s10+$0x4240] =	vst v3;
	v5 =	vadd.f32 v5, v7;
	v10 =	vld [tilespmem:s10+$0x2260]  }
.Ltmp0:
0x96: {  	[tilespmem:s10+$0x6240] =	vst v2;
	v4 =	vadd.f32 v4, v7;
	v3 =	vld [tilespmem:s10+$0x4260];
	(pc) =	sbr.rel @p0 .LBB2_2-.Ltmp0, $4  }
0x97: {  	[tilespmem:s10+$0x250] =	vst v5;
	v5 =	vadd.f32 v8, v7;
	v2 =	vld [tilespmem:s10+$0x6260]  }
0x98: {  	[tilespmem:s10+$0x2250] =	vst v4;
	v7 =	vadd.f32 v9, v7;
	v4 =	vld [tilespmem:s10+$0x270]  }
0x99: {  	[tilespmem:s10+$0x4250] =	vst v5;
	v8 =	vadd.f32 v6, v1;
	v5 =	vld [tilespmem:s10+$0x2270]  }
0x9a: {  	s11 =	sadd.s32 $0x200, s11;
	[tilespmem:s10+$0x6250] =	vst v7;
	v7 =	vadd.f32 v10, v1;
	v6 =	vld [tilespmem:s10+$0x4270]  }
0x9b: {  	[tilespmem:s10+$0x260] =	vst v8;
	v3 =	vadd.f32 v3, v1;
	v8 =	vld [tilespmem:s10+$0x6270]  }
0x9c: {  	[tilespmem:s10+$0x2260] =	vst v7;
	v1 =	vadd.f32 v2, v1  }
0x9d: {  	[tilespmem:s10+$0x4260] =	vst v3;
	v2 =	vadd.f32 v4, v0  }
0x9e: {  	[tilespmem:s10+$0x6260] =	vst v1;
	v1 =	vadd.f32 v5, v0  }
0x9f: {  	[tilespmem:s10+$0x270] =	vst v2;
	v2 =	vadd.f32 v6, v0  }
0xa0: {  	[tilespmem:s10+$0x2270] =	vst v1;
	v0 =	vadd.f32 v8, v0  }
0xa1: {  	[tilespmem:s10+$0x4270] =	vst v2  }
0xa2: {  	s11 =	simm.s32 $0x200;
	[tilespmem:s10+$0x6270] =	vst v0;
	s10 =	simm.s32 $0x0  }
0xa3: {  	[hbm4b:s7+s10] =	stream.linear.scatter [tilespmem:s11], [sflag:$0x9], $0x1000, $0x38;
	[tilespmem:$0xA200] =	vst v63  }
0xa4: {  	s12 =	rddreg [dreg:$0x9]  }
0xa5: {  	[hbm4b:s12+s10] =	stream.linear.scatter [tilespmem:s25], [sflag:$0x9], $0x1000, $0x38;
	[tilespmem:$0xA200] =	vst v63  }
0xa6: {  	s12 =	rddreg [dreg:$0xa]  }
0xa7: {  	[hbm4b:s12+s10] =	stream.linear.scatter [tilespmem:s26], [sflag:$0x9], $0x1000, $0x38;
	[tilespmem:$0xA200] =	vst v63  }
0xa8: {  	s12 =	rddreg [dreg:$0xb]  }
0xa9: {  	[hbm4b:s12+s10] =	stream.linear.scatter [tilespmem:s28], [sflag:$0x9], $0x1000, $0x38;
	[tilespmem:$0xA200] =	vst v63  }
0xaa: {  	_ =	swait.ge [sflag:s18], $0x1000  }
0xab: {  	[sflag:s18] =	ssyncset.done $0x0  }
0xac: {  	[sflag:s18] =	ssyncadd.s32 $0xFFFFF000  }
0xad: {  	_ =	swait.ge [sflag:s8], $0x1000  }
0xae: {  	[sflag:s8] =	ssyncset.done $0x0  }
0xaf: {  	[sflag:s8] =	ssyncadd.s32 $0xFFFFF000  }
0xb0: {  	_ =	swait.ge [sflag:s19], $0x1000  }
0xb1: {  	[sflag:s19] =	ssyncset.done $0x0  }
0xb2: {  	[sflag:s19] =	ssyncadd.s32 $0xFFFFF000  }
0xb3: {  	_ =	swait.ge [sflag:s9], $0x1000  }
0xb4: {  	[sflag:s9] =	ssyncset.done $0x0  }
0xb5: {  	s10 =	simm.s32 $0x0;
	[sflag:s9] =	ssyncadd.s32 $0xFFFFF000  }
0xb6: {  	v2 =	vld [tilespmem:s10+$0x9200]  }
0xb7: {  	v3 =	vld [tilespmem:s10+$0x9210]  }
0xb8: {  	v4 =	vld [tilespmem:s10+$0x9220]  }
0xb9: {  	v5 =	vld [tilespmem:s10+$0x9230]  }
0xba: {  	v6 =	vld [tilespmem:s10+$0x9240]  }
0xbb: {  	v7 =	vld [tilespmem:s10+$0x9250]  }
0xbc: {  	v1 =	vld [tilespmem:s10+$0x9260]  }
0xbd: {  	v8 =	vld [tilespmem:s10+$0x1200]  }
0xbe: {  	v9 =	vld [tilespmem:s10+$0x3200]  }
0xbf: {  	v10 =	vld [tilespmem:s10+$0x5200]  }
0xc0: {  	v11 =	vld [tilespmem:s10+$0x7200]  }
0xc1: {  	v12 =	vld [tilespmem:s10+$0x1210]  }
0xc2: {  	v13 =	vld [tilespmem:s10+$0x3210]  }
0xc3: {  	v14 =	vld [tilespmem:s10+$0x5210];
	v8 =	vadd.f32 v8, v2  }
0xc4: {  	v62 =	vld [tilespmem:s10+$0x1230];
	v9 =	vadd.f32 v9, v2  }
0xc5: {  	v10 =	vadd.f32 v10, v2;
	v2 =	vadd.f32 v11, v2;
	[tilespmem:s10+$0x1200] =	vst v8;
	v8 =	vld [tilespmem:s10+$0x7210]  }
0xc6: {  	[tilespmem:s10+$0x3200] =	vst v9;
	v9 =	vld [tilespmem:s10+$0x1220]  }
0xc7: {  	v11 =	vadd.f32 v12, v3;
	[tilespmem:s10+$0x7200] =	vst v2;
	v2 =	vld [tilespmem:s10+$0x5220]  }
0xc8: {  	v60 =	vadd.f32 v13, v3;
	[tilespmem:s10+$0x5200] =	vst v10;
	v10 =	vld [tilespmem:s10+$0x3220]  }
0xc9: {  	v61 =	vadd.f32 v14, v3;
	[tilespmem:s10+$0x1210] =	vst v11;
	v11 =	vld [tilespmem:s10+$0x7220]  }
0xca: {  	v0 =	vld [tilespmem:s10+$0x9270];
	[tilespmem:s10+$0x3210] =	vst v60;
	v3 =	vadd.f32 v8, v3  }
0xcb: {  	[tilespmem:s10+$0x5210] =	vst v61;
	v8 =	vld [tilespmem:s10+$0x3230];
	v9 =	vadd.f32 v9, v4  }
0xcc: {  	v2 =	vadd.f32 v2, v4;
	[tilespmem:s10+$0x7210] =	vst v3;
	v3 =	vld [tilespmem:s10+$0x5230]  }
0xcd: {  	v10 =	vadd.f32 v10, v4;
	[tilespmem:s10+$0x1220] =	vst v9;
	v9 =	vld [tilespmem:s10+$0x7230]  }
0xce: {  	v4 =	vadd.f32 v11, v4;
	v11 =	vadd.f32 v62, v5;
	[tilespmem:s10+$0x5220] =	vst v2;
	v2 =	vld [tilespmem:s10+$0x3240]  }
0xcf: {  	[tilespmem:s10+$0x3220] =	vst v10;
	v10 =	vld [tilespmem:s10+$0x1240]  }
0xd0: {  	[tilespmem:s10+$0x1230] =	vst v11;
	v11 =	vld [tilespmem:s10+$0x7240];
	v8 =	vadd.f32 v8, v5  }
0xd1: {  	[tilespmem:s10+$0x7220] =	vst v4;
	v4 =	vld [tilespmem:s10+$0x5240];
	v3 =	vadd.f32 v3, v5  }
0xd2: {  	[tilespmem:s10+$0x3230] =	vst v8;
	v8 =	vld [tilespmem:s10+$0x1250];
	v5 =	vadd.f32 v9, v5  }
0xd3: {  	v9 =	vld [tilespmem:s10+$0x3250];
	v2 =	vadd.f32 v2, v6;
	[tilespmem:s10+$0x5230] =	vst v3  }
0xd4: {  	v3 =	vadd.f32 v10, v6;
	[tilespmem:s10+$0x7230] =	vst v5;
	v5 =	vld [tilespmem:s10+$0x5250]  }
0xd5: {  	v10 =	vld [tilespmem:s10+$0x7250];
	[tilespmem:s10+$0x3240] =	vst v2;
	v2 =	vadd.f32 v11, v6  }
0xd6: {  	v63 =	vld [tilespmem:s10+$0x1260];
	[tilespmem:s10+$0x1240] =	vst v3;
	v3 =	vadd.f32 v4, v6  }
0xd7: {  	v6 =	vld [tilespmem:s10+$0x3260];
	[tilespmem:s10+$0x7240] =	vst v2;
	v4 =	vadd.f32 v8, v7  }
0xd8: {  	v8 =	vadd.f32 v9, v7;
	[tilespmem:s10+$0x5240] =	vst v3;
	v3 =	vld [tilespmem:s10+$0x5260]  }
0xd9: {  	v2 =	vld [tilespmem:s10+$0x7260];
	[tilespmem:s10+$0x1250] =	vst v4;
	v5 =	vadd.f32 v5, v7  }
0xda: {  	[tilespmem:s10+$0x3250] =	vst v8;
	v4 =	vld [tilespmem:s10+$0x1270];
	v7 =	vadd.f32 v10, v7  }
0xdb: {  	v8 =	vadd.f32 v63, v1;
	[tilespmem:s10+$0x5250] =	vst v5;
	v5 =	vld [tilespmem:s10+$0x3270]  }
0xdc: {  	s11 =	simm.s32 $0x200;
	[tilespmem:s10+$0x7250] =	vst v7;
	v7 =	vadd.f32 v6, v1;
	v6 =	vld [tilespmem:s10+$0x5270]  }
.LBB2_4:
0xdd: {  	s12 =	sshra.s32 s11, $0x2;
	p0 =	sne.s32 s11, $0x3E00;
	[tilespmem:s10+$0x1260] =	vst v8;
	v3 =	vadd.f32 v3, v1;
	v8 =	vld [tilespmem:s10+$0x7270]  }
0xde: {  	v9 =	vld [tilespmem:s12+$0x9200];
	[tilespmem:s10+$0x3260] =	vst v7;
	v1 =	vadd.f32 v2, v1  }
0xdf: {  	v2 =	vld [tilespmem:s12+$0x9210];
	[tilespmem:s10+$0x5260] =	vst v3;
	v3 =	vadd.f32 v4, v0  }
0xe0: {  	v4 =	vld [tilespmem:s12+$0x9220];
	[tilespmem:s10+$0x7260] =	vst v1;
	v1 =	vadd.f32 v5, v0  }
0xe1: {  	v5 =	vld [tilespmem:s12+$0x9230];
	[tilespmem:s10+$0x1270] =	vst v3;
	v3 =	vadd.f32 v6, v0  }
0xe2: {  	v6 =	vld [tilespmem:s12+$0x9240];
	[tilespmem:s10+$0x3270] =	vst v1;
	v0 =	vadd.f32 v8, v0  }
0xe3: {  	v7 =	vld [tilespmem:s12+$0x9250];
	[tilespmem:s10+$0x5270] =	vst v3  }
0xe4: {  	v1 =	vld [tilespmem:s12+$0x9260];
	[tilespmem:s10+$0x7270] =	vst v0;
	s10 =	smov.u32 s12  }
0xe5: {  	v0 =	vld [tilespmem:s10+$0x9270]  }
0xe6: {  	v3 =	vld [tilespmem:s10+$0x1200]  }
0xe7: {  	v8 =	vld [tilespmem:s10+$0x3200]  }
0xe8: {  	v10 =	vld [tilespmem:s10+$0x5200]  }
0xe9: {  	v11 =	vld [tilespmem:s10+$0x7200]  }
0xea: {  	v12 =	vld [tilespmem:s10+$0x1210]  }
0xeb: {  	v3 =	vadd.f32 v3, v9;
	v13 =	vld [tilespmem:s10+$0x3210]  }
0xec: {  	v8 =	vadd.f32 v8, v9;
	v14 =	vld [tilespmem:s10+$0x5210]  }
0xed: {  	[tilespmem:s10+$0x1200] =	vst v3;
	v3 =	vadd.f32 v10, v9;
	v10 =	vld [tilespmem:s10+$0x7210]  }
0xee: {  	[tilespmem:s10+$0x3200] =	vst v8;
	v8 =	vadd.f32 v11, v9;
	v9 =	vld [tilespmem:s10+$0x1220]  }
0xef: {  	[tilespmem:s10+$0x5200] =	vst v3;
	v3 =	vadd.f32 v12, v2;
	v11 =	vld [tilespmem:s10+$0x3220]  }
0xf0: {  	[tilespmem:s10+$0x7200] =	vst v8;
	v8 =	vadd.f32 v13, v2;
	v12 =	vld [tilespmem:s10+$0x5220]  }
0xf1: {  	[tilespmem:s10+$0x1210] =	vst v3;
	v3 =	vadd.f32 v14, v2;
	v13 =	vld [tilespmem:s10+$0x7220]  }
0xf2: {  	[tilespmem:s10+$0x3210] =	vst v8;
	v2 =	vadd.f32 v10, v2;
	v8 =	vld [tilespmem:s10+$0x1230]  }
0xf3: {  	[tilespmem:s10+$0x5210] =	vst v3;
	v3 =	vadd.f32 v9, v4;
	v9 =	vld [tilespmem:s10+$0x3230]  }
0xf4: {  	[tilespmem:s10+$0x7210] =	vst v2;
	v2 =	vadd.f32 v11, v4;
	v10 =	vld [tilespmem:s10+$0x5230]  }
0xf5: {  	[tilespmem:s10+$0x1220] =	vst v3;
	v3 =	vadd.f32 v12, v4;
	v11 =	vld [tilespmem:s10+$0x7230]  }
0xf6: {  	[tilespmem:s10+$0x3220] =	vst v2;
	v2 =	vadd.f32 v13, v4;
	v4 =	vld [tilespmem:s10+$0x1240]  }
0xf7: {  	[tilespmem:s10+$0x5220] =	vst v3;
	v3 =	vadd.f32 v8, v5;
	v8 =	vld [tilespmem:s10+$0x3240]  }
0xf8: {  	[tilespmem:s10+$0x7220] =	vst v2;
	v2 =	vadd.f32 v9, v5;
	v9 =	vld [tilespmem:s10+$0x5240]  }
0xf9: {  	[tilespmem:s10+$0x1230] =	vst v3;
	v3 =	vadd.f32 v10, v5;
	v10 =	vld [tilespmem:s10+$0x7240]  }
0xfa: {  	[tilespmem:s10+$0x3230] =	vst v2;
	v2 =	vadd.f32 v11, v5;
	v5 =	vld [tilespmem:s10+$0x1250]  }
0xfb: {  	[tilespmem:s10+$0x5230] =	vst v3;
	v3 =	vadd.f32 v4, v6;
	v4 =	vld [tilespmem:s10+$0x3250]  }
0xfc: {  	[tilespmem:s10+$0x7230] =	vst v2;
	v2 =	vadd.f32 v8, v6;
	v8 =	vld [tilespmem:s10+$0x5250]  }
0xfd: {  	[tilespmem:s10+$0x1240] =	vst v3;
	v3 =	vadd.f32 v9, v6;
	v9 =	vld [tilespmem:s10+$0x7250]  }
0xfe: {  	[tilespmem:s10+$0x3240] =	vst v2;
	v2 =	vadd.f32 v10, v6;
	v6 =	vld [tilespmem:s10+$0x1260]  }
0xff: {  	[tilespmem:s10+$0x5240] =	vst v3;
	v5 =	vadd.f32 v5, v7;
	v10 =	vld [tilespmem:s10+$0x3260]  }
.Ltmp1:
0x100: {  	[tilespmem:s10+$0x7240] =	vst v2;
	v4 =	vadd.f32 v4, v7;
	v3 =	vld [tilespmem:s10+$0x5260];
	(pc) =	sbr.rel @p0 .LBB2_4-.Ltmp1, $4  }
0x101: {  	[tilespmem:s10+$0x1250] =	vst v5;
	v5 =	vadd.f32 v8, v7;
	v2 =	vld [tilespmem:s10+$0x7260]  }
0x102: {  	[tilespmem:s10+$0x3250] =	vst v4;
	v7 =	vadd.f32 v9, v7;
	v4 =	vld [tilespmem:s10+$0x1270]  }
0x103: {  	[tilespmem:s10+$0x5250] =	vst v5;
	v8 =	vadd.f32 v6, v1;
	v5 =	vld [tilespmem:s10+$0x3270]  }
0x104: {  	s11 =	sadd.s32 $0x200, s11;
	[tilespmem:s10+$0x7250] =	vst v7;
	v7 =	vadd.f32 v10, v1;
	v6 =	vld [tilespmem:s10+$0x5270]  }
0x105: {  	[tilespmem:s10+$0x1260] =	vst v8;
	v3 =	vadd.f32 v3, v1;
	v58 =	vld [tilespmem:s10+$0x7270]  }
0x106: {  	[tilespmem:s10+$0x3260] =	vst v7;
	v59 =	vadd.f32 v2, v1  }
0x107: {  	[tilespmem:s10+$0x5260] =	vst v3;
	v60 =	vadd.f32 v4, v0  }
0x108: {  	[tilespmem:s10+$0x7260] =	vst v59;
	v61 =	vadd.f32 v5, v0  }
0x109: {  	[tilespmem:s10+$0x1270] =	vst v60;
	v62 =	vadd.f32 v6, v0  }
0x10a: {  	[tilespmem:s10+$0x3270] =	vst v61;
	v63 =	vadd.f32 v58, v0  }
0x10b: {  	[tilespmem:s10+$0x5270] =	vst v62  }
0x10c: {  	s12 =	rddreg [dreg:$0xc];
	[tilespmem:s10+$0x7270] =	vst v63  }
0x10d: {  	[hbm4b:s12+s3] =	stream.linear.scatter [tilespmem:s29], [sflag:$0x9], $0x1000, $0x38;
	[tilespmem:$0xA200] =	vst v63  }
0x10e: {  	_ = 	snop  }
0x10f: {  	[hbm4b:s14+s3] =	stream.linear.scatter [tilespmem:s31], [sflag:$0x9], $0x1000, $0x38;
	[tilespmem:$0xA200] =	vst v63  }
0x110: {  	_ = 	snop  }
0x111: {  	[hbm4b:s15+s3] =	stream.linear.scatter [tilespmem:s0], [sflag:$0x9], $0x1000, $0x38;
	[tilespmem:$0xA200] =	vst v63  }
0x112: {  	_ = 	snop  }
0x113: {  	[hbm4b:s16+s3] =	stream.linear.scatter [tilespmem:s30], [sflag:$0x9], $0x1000, $0x38;
	[tilespmem:$0xA200] =	vst v63  }
0x114: {  	_ =	swait.ge [sflag:s22], $0x1000  }
0x115: {  	[sflag:s22] =	ssyncset.done $0x0  }
0x116: {  	[sflag:s22] =	ssyncadd.s32 $0xFFFFF000  }
0x117: {  	_ =	swait.ge [sflag:s22], $0x1000  }
0x118: {  	[sflag:s22] =	ssyncset.done $0x0  }
0x119: {  	[sflag:s22] =	ssyncadd.s32 $0xFFFFF000  }
0x11a: {  	_ =	swait.ge [sflag:s22], $0x1000  }
0x11b: {  	[sflag:s22] =	ssyncset.done $0x0  }
0x11c: {  	[sflag:s22] =	ssyncadd.s32 $0xFFFFF000  }
0x11d: {  	_ =	swait.ge [sflag:s22], $0x1000  }
0x11e: {  	[sflag:s22] =	ssyncset.done $0x0  }
0x11f: {  	[sflag:s22] =	ssyncadd.s32 $0xFFFFF000  }
0x120: {  	_ =	swait.ge [sflag:s22], $0x1000  }
0x121: {  	[sflag:s22] =	ssyncset.done $0x0  }
0x122: {  	[sflag:s22] =	ssyncadd.s32 $0xFFFFF000  }
0x123: {  	_ =	swait.ge [sflag:s22], $0x1000  }
0x124: {  	[sflag:s22] =	ssyncset.done $0x0  }
0x125: {  	s20 =	sadd.s32 $0x1, s20;
	[sflag:s22] =	ssyncadd.s32 $0xFFFFF000  }
0x126: {  	p0 =	sne.s32 s20, s17;
	_ =	swait.ge [sflag:s22], $0x1000  }
.Ltmp2:
0x127: {  	[sflag:s22] =	ssyncset.done $0x0;
	(pc) =	sbr.rel @p0 .LBB2_1-.Ltmp2, $4  }
0x128: {  	[sflag:s22] =	ssyncadd.s32 $0xFFFFF000  }
0x129: {  	_ =	swait.ge [sflag:s22], $0x1000  }
0x12a: {  	[sflag:s22] =	ssyncset.done $0x0  }
0x12b: {  	[sflag:s22] =	ssyncadd.s32 $0xFFFFF000  }
0x12c: {  	_ =	sfence.sel $0x180000  }
0x12d: {  	[bflag:$0x0] =	sbarrier.arrive $0xFFFF  }
0x12e: {  	_ =	strace $0x90000047  }
0x12f: {  	s0 =	stileid.u32;
	[bflag:$0x2] =	sbarrier.arrive $0xFFFF  }
0x130: {  	p0 =	sne.s32 s0, $0x0;
	s0 =	rddreg [dreg:$0x4]  }
0x131: {  	s0 =	sadd.s32 @!p0 $0x100000, s0  }
0x132: {  	[sflag:s0] =	ssyncadd.tile.s32 @!p0 $0x1;
	_ =	shalt  }
.Lfunc_end2:
_tile_overlayer_lowered:
.L_overlay_start_2:
0x133: {  	(tag) =	ssettag $0x2  }
0x134: {  	s0 =	rddreg [dreg:$0x0];
	s2 =	stileid.u32  }
0x135: {  	s1 =	rddreg [dreg:$0x1];
	p0 =	sne.s32 s2, $0x0  }
0x136: {  	s3 =	rddreg [dreg:$0x2];
	[bflag:$0x3] =	sbarrier.arrive $0xFFFF;
	s2 =	simm.s32 @!p0 $0x1C0A  }
0x137: {  	[timem:s3], [sflag:s2] =	dma.local @!p0 [hbm:s0], s1  }
0x138: {  	s0 =	simm.s32 @!p0 $0xA  }
0x139: {  	_ =	swait.ge @!p0 [sflag:s0], s1  }
0x13a: {  	s1 =	ssub.s32 @!p0 $0x0, s1;
	[sflag:s0] =	ssyncset.done @!p0 $0x0  }
0x13b: {  	[sflag:s0] =	ssyncadd.s32 @!p0 s1  }
0x13c: {  	[bflag:$0x3] =	sbarrier.arrive $0xFFFF  }
0x13d: {  	_ =	shalt  }

</sc_bundles>
